<compile_context>
chip_gen: v7x
topology: tpu7x:2x2x1
jax: 0.10.2.dev20260603
libtpu: 0.0.44.dev20260713+nightly
codegen_flags: <defaults>
</compile_context>

<pallas_src>
import functools

import jax
import jax.numpy as jnp
from jax import lax
from jax.experimental import pallas as pl
from jax.experimental.pallas import tpu as pltpu
from jax.experimental.pallas import tpu_sc as plsc

_LANES = 16
_TABLE = 16384
_MAGIC_F = 12582912.0
_MAGIC_I = 0x4B400000
_CH = 16384
_NBUF = 2


def _make_sc_call(n):
  info = plsc.get_sparse_core_info()
  nc, ns = info.num_cores, info.num_subcores
  nw = nc * ns
  per_w = n // nw
  n_ch = per_w // _CH
  mesh = plsc.VectorSubcoreMesh(core_axis_name="c", subcore_axis_name="s")

  @functools.partial(
      pl.kernel,
      mesh=mesh,
      compiler_params=pltpu.CompilerParams(needs_layout_passes=False),
      out_type=jax.ShapeDtypeStruct((n,), jnp.float32),
      scratch_types=[
          pltpu.VMEM((_TABLE,), jnp.float32),
          [pltpu.VMEM((_CH,), jnp.float32) for _ in range(_NBUF)],
          [pltpu.VMEM((_CH,), jnp.float32) for _ in range(_NBUF)],
          [pltpu.SemaphoreType.DMA for _ in range(_NBUF)],
          [pltpu.SemaphoreType.DMA for _ in range(_NBUF)],
      ],
  )
  def sc_gelu(x_hbm, lut_hbm, out_hbm, lut_v, xbufs, obufs, in_sems,
              out_sems):
    wid = lax.axis_index("s") * nc + lax.axis_index("c")
    base_w = wid * per_w
    pltpu.sync_copy(lut_hbm, lut_v)

    for b in range(_NBUF):
      pltpu.async_copy(
          x_hbm.at[pl.ds(base_w + b * _CH, _CH)], xbufs[b], in_sems[b])

    def chunk_group(gp, carry):
      for b in range(_NBUF):
        g = gp * _NBUF + b
        base = base_w + g * _CH
        pltpu.make_async_copy(
            x_hbm.at[pl.ds(base, _CH)], xbufs[b], in_sems[b]).wait()
        @pl.when(g >= _NBUF)
        def _():
          pltpu.make_async_copy(
              obufs[b], out_hbm.at[pl.ds(base - _NBUF * _CH, _CH)],
              out_sems[b]).wait()

        xbuf, obuf = xbufs[b], obufs[b]

        @plsc.parallel_loop(0, _CH // _LANES, unroll=8)
        def _(i):
          off = i * _LANES
          xv = xbuf[pl.ds(off, _LANES)]
          s = xv * jnp.float32(65536.0) + jnp.float32(_MAGIC_F)
          xi = plsc.bitcast(s, jnp.int32) - jnp.int32(_MAGIC_I)
          y = lax.shift_right_arithmetic(xi, 4)
          a = jnp.maximum(y, -y)
          c = jnp.minimum(a, jnp.int32(_TABLE - 1))
          lv = plsc.load_gather(lut_v, [c])
          obuf[pl.ds(off, _LANES)] = jnp.where(
              xi >= 0, xv, jnp.float32(0.0)) - lv

        pltpu.async_copy(obuf, out_hbm.at[pl.ds(base, _CH)], out_sems[b])

        @pl.when(g + _NBUF < n_ch)
        def _():
          pltpu.async_copy(
              x_hbm.at[pl.ds(base + _NBUF * _CH, _CH)], xbufs[b],
              in_sems[b])

      return carry

    lax.fori_loop(0, n_ch // _NBUF, chunk_group, 0)

    for b in range(_NBUF):
      g = n_ch - _NBUF + b
      pltpu.make_async_copy(
          obufs[b], out_hbm.at[pl.ds(base_w + g * _CH, _CH)],
          out_sems[b]).wait()

  return sc_gelu


def kernel(x, lut):
  n = x.size
  sc_gelu = _make_sc_call(n)
  out = sc_gelu(x.reshape(n), lut)
  return out.reshape(x.shape)

# --- scband reference (transcript-rebuilt; emitter-appended) ---
"""Pipeline reference for scband-sec-gelu-59339268161552 (READ-ONLY COPY).

The authoritative reference and input builder live on the scoring server;
editing this copy changes nothing except your own understanding.
"""

import jax, jax.numpy as jnp
import numpy as np
from jax.scipy.special import erf

# Plaintext emulation of the Sigma-style secure GELU (SecGELU / _gelu_forward_cpu):
#   y = fixed-point(x) with GELU_TABLE_BIT fractional bits
#   d = (y >= 0); a = |y| (computed as d*y*2 - y, exactly as the ring code does)
#   c = a clamped to table_size - 1
#   GELU(x) = d*x - LUT[c],  where LUT[k] = T(k/2^tsb) and T(a) = a - gelu(a) for a >= 0
# (uses the identity gelu(x) = x + gelu(-x), so gelu(x) = d*x - T(|x|))

GELU_TABLE_BIT = 12
SCALE_BIT = 16
TABLE_SIZE = 2 ** (GELU_TABLE_BIT + 2)  # covers |x| in [0, 4)


def _exact_gelu(a):
    return 0.5 * a * (1.0 + erf(a / jnp.sqrt(jnp.float32(2.0))))


def setup_inputs(seed: int = 0) -> dict:
    key = jax.random.key(seed)
    x = jax.random.normal(key, (4, 4096, 2048), dtype=jnp.float32)
    # learned/precomputed parameter: the GELU correction lookup table
    a = jnp.arange(TABLE_SIZE, dtype=jnp.float32) / jnp.float32(2.0 ** GELU_TABLE_BIT)
    lut = a - _exact_gelu(a)
    return {"x": x, "lut": lut}


def reference(x, lut):
    # quantize to ring fixed-point: x.scale = 2^SCALE_BIT, then y = x_fixed / (scale / 2^tsb)
    xi = jnp.round(jax.lax.stop_gradient(x) * (2.0 ** SCALE_BIT)).astype(jnp.int32)
    y = xi // (2 ** (SCALE_BIT - GELU_TABLE_BIT))  # floor division == ring shift
    d = y >= 0
    p = jnp.where(d, y, 0)          # p = d * y
    a = p * 2 - y                    # a = |y|
    i = a < TABLE_SIZE               # in-range indicator
    c = jnp.where(i, a, TABLE_SIZE - 1)  # clamp (safety path in the MPC code)
    # d * x - LookUp.eval(c, table)
    out = jnp.where(d, x, jnp.float32(0.0)) - jnp.take(lut, c, axis=0)
    return out

if __name__ == "__main__":
    import jax
    _d = setup_inputs()
    print(jax.jit(kernel)(*tuple(_d.values())))

</pallas_src>

<mosaic_0001>
#map = affine_map<(d0, d1) -> (0)>
module attributes {stable_mosaic.version = 14 : i64} {
  func.func @sc_gelu(%arg0: i32, %arg1: i32, %arg2: memref<33554432xf32, #tpu.memory_space<hbm>>, %arg3: memref<16384xf32, #tpu.memory_space<hbm>>, %arg4: memref<33554432xf32, #tpu.memory_space<hbm>>, %arg5: memref<16384xf32, #tpu.memory_space<vmem>>, %arg6: memref<16384xf32, #tpu.memory_space<vmem>>, %arg7: memref<16384xf32, #tpu.memory_space<vmem>>, %arg8: memref<16384xf32, #tpu.memory_space<vmem>>, %arg9: memref<16384xf32, #tpu.memory_space<vmem>>, %arg10: memref<!tpu.dma_semaphore, #tpu.memory_space<semaphore_mem>>, %arg11: memref<!tpu.dma_semaphore, #tpu.memory_space<semaphore_mem>>, %arg12: memref<!tpu.dma_semaphore, #tpu.memory_space<semaphore_mem>>, %arg13: memref<!tpu.dma_semaphore, #tpu.memory_space<semaphore_mem>>) attributes {dimension_semantics = [#tpu.dimension_semantics<core_parallel>, #tpu.dimension_semantics<subcore_parallel>], iteration_bounds = array<i64: 2, 16>, scalar_prefetch = 0 : i64, scratch_operands = 9 : i64, tpu.core_type = #tpu.core_type<sc_vector_subcore>, window_params = [{transform_indices = #map}, {transform_indices = #map}, {transform_indices = #map}]} {
    %mul3A = arith.constant 2 : i32
    %mul3A_0 = arith.muli %arg1, %mul3A : i32
    %add3A = arith.addi %mul3A_0, %arg0 : i32
    %mul3A_1 = arith.constant 1048576 : i32
    %mul3A_2 = arith.muli %add3A, %mul3A_1 : i32
    "tpu.region"() ({
      %run_scoped3A = tpu.sem_alloc : memref<!tpu.dma_semaphore, #tpu.memory_space<semaphore_mem>>
      tpu.enqueue_dma source(%arg3 : memref<16384xf32, #tpu.memory_space<hbm>>) target(%arg5 : memref<16384xf32, #tpu.memory_space<vmem>>) target_semaphore(%run_scoped3A : memref<!tpu.dma_semaphore, #tpu.memory_space<semaphore_mem>>)
      tpu.wait_dma2 semaphore(%run_scoped3A : memref<!tpu.dma_semaphore, #tpu.memory_space<semaphore_mem>>) src(%arg3 : memref<16384xf32, #tpu.memory_space<hbm>>) dst(%arg5 : memref<16384xf32, #tpu.memory_space<vmem>>)
      tpu.yield
    }) : () -> ()
    %add3A_3 = arith.constant 0 : i32
    %add3A_4 = arith.addi %mul3A_2, %add3A_3 : i32
    %dma_start3A = tpu.memref_slice %arg2[%add3A_4] : memref<33554432xf32, #tpu.memory_space<hbm>> -> memref<16384xf32, #tpu.memory_space<hbm>>
    %dma_start3A_5 = tpu.memref_slice %arg2[%add3A_4] : memref<33554432xf32, #tpu.memory_space<hbm>> -> memref<16384xf32, #tpu.memory_space<hbm>>
    tpu.enqueue_dma source(%dma_start3A_5 : memref<16384xf32, #tpu.memory_space<hbm>>) target(%arg6 : memref<16384xf32, #tpu.memory_space<vmem>>) target_semaphore(%arg10 : memref<!tpu.dma_semaphore, #tpu.memory_space<semaphore_mem>>)
    %add3A_6 = arith.constant 16384 : i32
    %add3A_7 = arith.addi %mul3A_2, %add3A_6 : i32
    %dma_start3A_8 = tpu.memref_slice %arg2[%add3A_7] : memref<33554432xf32, #tpu.memory_space<hbm>> -> memref<16384xf32, #tpu.memory_space<hbm>>
    %dma_start3A_9 = tpu.memref_slice %arg2[%add3A_7] : memref<33554432xf32, #tpu.memory_space<hbm>> -> memref<16384xf32, #tpu.memory_space<hbm>>
    tpu.enqueue_dma source(%dma_start3A_9 : memref<16384xf32, #tpu.memory_space<hbm>>) target(%arg7 : memref<16384xf32, #tpu.memory_space<vmem>>) target_semaphore(%arg11 : memref<!tpu.dma_semaphore, #tpu.memory_space<semaphore_mem>>)
    %scan3A = arith.constant 0 : i32
    %scan3A_10 = arith.constant 0 : i32
    %scan3A_11 = arith.constant 32 : i32
    %scan3A_12 = arith.addi %scan3A_10, %scan3A_11 : i32
    %scan3A_13 = arith.constant 1 : i32
    scf.for %scan3A_22 = %scan3A_10 to %scan3A_12 step %scan3A_13  : i32 {
      %mul3A_23 = arith.constant 2 : i32
      %mul3A_24 = arith.muli %scan3A_22, %mul3A_23 : i32
      %add3A_25 = arith.constant 0 : i32
      %add3A_26 = arith.addi %mul3A_24, %add3A_25 : i32
      %mul3A_27 = arith.constant 16384 : i32
      %mul3A_28 = arith.muli %add3A_26, %mul3A_27 : i32
      %add3A_29 = arith.addi %mul3A_2, %mul3A_28 : i32
      %dma_wait3A_30 = tpu.memref_slice %arg2[%add3A_29] : memref<33554432xf32, #tpu.memory_space<hbm>> -> memref<16384xf32, #tpu.memory_space<hbm>>
      %dma_wait3A_31 = tpu.memref_slice %arg2[%add3A_29] : memref<33554432xf32, #tpu.memory_space<hbm>> -> memref<16384xf32, #tpu.memory_space<hbm>>
      tpu.wait_dma2 semaphore(%arg10 : memref<!tpu.dma_semaphore, #tpu.memory_space<semaphore_mem>>) src(%dma_wait3A_31 : memref<16384xf32, #tpu.memory_space<hbm>>) dst(%arg6 : memref<16384xf32, #tpu.memory_space<vmem>>)
      %ge3A = arith.constant 2 : i32
      %ge3A_32 = arith.cmpi sge, %add3A_26, %ge3A : i32
      %convert_element_type3A = arith.extui %ge3A_32 : i1 to i32
      %cond3A = arith.constant 0 : i32
      %cond3A_33 = arith.cmpi ne, %convert_element_type3A, %cond3A : i32
      scf.if %cond3A_33 {
        %sub3A = arith.constant 32768 : i32
        %sub3A_70 = arith.subi %add3A_29, %sub3A : i32
        %dma_wait3A_71 = tpu.memref_slice %arg4[%sub3A_70] : memref<33554432xf32, #tpu.memory_space<hbm>> -> memref<16384xf32, #tpu.memory_space<hbm>>
        %dma_wait3A_72 = tpu.memref_slice %arg4[%sub3A_70] : memref<33554432xf32, #tpu.memory_space<hbm>> -> memref<16384xf32, #tpu.memory_space<hbm>>
        tpu.wait_dma2 semaphore(%arg12 : memref<!tpu.dma_semaphore, #tpu.memory_space<semaphore_mem>>) src(%arg8 : memref<16384xf32, #tpu.memory_space<vmem>>) dst(%dma_wait3A_72 : memref<16384xf32, #tpu.memory_space<hbm>>)
      } else {
      }
      %parallel_loop3A = arith.constant 0 : i32
      %parallel_loop3A_34 = arith.constant 1024 : i32
      %parallel_loop3A_35 = arith.constant 1 : i32
      scf.for %parallel_loop3A_70 = %parallel_loop3A to %parallel_loop3A_34 step %parallel_loop3A_35  : i32 {
        %parallel_loop3A_71 = arith.constant 16 : i32
        %parallel_loop3A_72 = arith.muli %parallel_loop3A_70, %parallel_loop3A_71 : i32
        %parallel_loop3A_73 = arith.index_cast %parallel_loop3A_72 : i32 to index
        %parallel_loop3A_74 = tpu.vector_load %arg6[%parallel_loop3A_73] {strides = array<i32>} : memref<16384xf32, #tpu.memory_space<vmem>>, vector<16xf32>,
        %parallel_loop3A_75 = arith.constant 6.553600e+04 : f32
        %parallel_loop3A_76 = vector.broadcast %parallel_loop3A_75 : f32 to vector<16xf32>
        %parallel_loop3A_77 = arith.mulf %parallel_loop3A_74, %parallel_loop3A_76 : vector<16xf32>
        %parallel_loop3A_78 = arith.constant 0x4B400000 : f32
        %parallel_loop3A_79 = vector.broadcast %parallel_loop3A_78 : f32 to vector<16xf32>
        %parallel_loop3A_80 = arith.addf %parallel_loop3A_77, %parallel_loop3A_79 : vector<16xf32>
        %parallel_loop3A_81 = vector.bitcast %parallel_loop3A_80 : vector<16xf32> to vector<16xi32>
        %parallel_loop3A_82 = arith.constant 1262485504 : i32
        %parallel_loop3A_83 = vector.broadcast %parallel_loop3A_82 : i32 to vector<16xi32>
        %parallel_loop3A_84 = arith.subi %parallel_loop3A_81, %parallel_loop3A_83 : vector<16xi32>
        %parallel_loop3A_85 = arith.constant 4 : i32
        %parallel_loop3A_86 = vector.broadcast %parallel_loop3A_85 : i32 to vector<16xi32>
        %parallel_loop3A_87 = arith.shrsi %parallel_loop3A_84, %parallel_loop3A_86 : vector<16xi32>
        %parallel_loop3A_88 = arith.constant 0 : i32
        %parallel_loop3A_89 = vector.broadcast %parallel_loop3A_88 : i32 to vector<16xi32>
        %parallel_loop3A_90 = arith.subi %parallel_loop3A_89, %parallel_loop3A_87 : vector<16xi32>
        %parallel_loop3A_91 = arith.maxsi %parallel_loop3A_87, %parallel_loop3A_90 : vector<16xi32>
        %parallel_loop3A_92 = arith.constant 16383 : i32
        %parallel_loop3A_93 = vector.broadcast %parallel_loop3A_92 : i32 to vector<16xi32>
        %parallel_loop3A_94 = arith.minsi %parallel_loop3A_91, %parallel_loop3A_93 : vector<16xi32>
        %parallel_loop3A_95 = tpu.vector_load_idx %arg5[%parallel_loop3A_94] : memref<16384xf32, #tpu.memory_space<vmem>>[vector<16xi32>], vector<16xf32>,
        %parallel_loop3A_96 = arith.constant 0 : i32
        %parallel_loop3A_97 = vector.broadcast %parallel_loop3A_96 : i32 to vector<16xi32>
        %parallel_loop3A_98 = arith.cmpi sge, %parallel_loop3A_84, %parallel_loop3A_97 : vector<16xi32>
        %parallel_loop3A_99 = arith.constant 0.000000e+00 : f32
        %parallel_loop3A_100 = vector.broadcast %parallel_loop3A_99 : f32 to vector<16xf32>
        %parallel_loop3A_101 = arith.select %parallel_loop3A_98, %parallel_loop3A_74, %parallel_loop3A_100 : vector<16xi1>, vector<16xf32>
        %parallel_loop3A_102 = arith.subf %parallel_loop3A_101, %parallel_loop3A_95 : vector<16xf32>
        %parallel_loop3A_103 = arith.index_cast %parallel_loop3A_72 : i32 to index
        %parallel_loop3A_104 = tpu.vector_load %arg8[%parallel_loop3A_103] {strides = array<i32>} : memref<16384xf32, #tpu.memory_space<vmem>>, vector<16xf32>,
        tpu.vector_store %arg8[%parallel_loop3A_103], %parallel_loop3A_102 {strides = array<i32>} : memref<16384xf32, #tpu.memory_space<vmem>>, vector<16xf32>,
      } {sc.loop_unroll_factor = 8 : i64, sc.parallel_access}
      %dma_start3A_36 = tpu.memref_slice %arg4[%add3A_29] : memref<33554432xf32, #tpu.memory_space<hbm>> -> memref<16384xf32, #tpu.memory_space<hbm>>
      %dma_start3A_37 = tpu.memref_slice %arg4[%add3A_29] : memref<33554432xf32, #tpu.memory_space<hbm>> -> memref<16384xf32, #tpu.memory_space<hbm>>
      tpu.enqueue_dma source(%arg8 : memref<16384xf32, #tpu.memory_space<vmem>>) target(%dma_start3A_37 : memref<16384xf32, #tpu.memory_space<hbm>>) target_semaphore(%arg12 : memref<!tpu.dma_semaphore, #tpu.memory_space<semaphore_mem>>)
      %add3A_38 = arith.constant 2 : i32
      %add3A_39 = arith.addi %add3A_26, %add3A_38 : i32
      %lt3A = arith.constant 64 : i32
      %lt3A_40 = arith.cmpi slt, %add3A_39, %lt3A : i32
      %convert_element_type3A_41 = arith.extui %lt3A_40 : i1 to i32
      %cond3A_42 = arith.constant 0 : i32
      %cond3A_43 = arith.cmpi ne, %convert_element_type3A_41, %cond3A_42 : i32
      scf.if %cond3A_43 {
        %add3A_70 = arith.constant 32768 : i32
        %add3A_71 = arith.addi %add3A_29, %add3A_70 : i32
        %dma_start3A_72 = tpu.memref_slice %arg2[%add3A_71] : memref<33554432xf32, #tpu.memory_space<hbm>> -> memref<16384xf32, #tpu.memory_space<hbm>>
        %dma_start3A_73 = tpu.memref_slice %arg2[%add3A_71] : memref<33554432xf32, #tpu.memory_space<hbm>> -> memref<16384xf32, #tpu.memory_space<hbm>>
        tpu.enqueue_dma source(%dma_start3A_73 : memref<16384xf32, #tpu.memory_space<hbm>>) target(%arg6 : memref<16384xf32, #tpu.memory_space<vmem>>) target_semaphore(%arg10 : memref<!tpu.dma_semaphore, #tpu.memory_space<semaphore_mem>>)
      } else {
      }
      %mul3A_44 = arith.constant 2 : i32
      %mul3A_45 = arith.muli %scan3A_22, %mul3A_44 : i32
      %add3A_46 = arith.constant 1 : i32
      %add3A_47 = arith.addi %mul3A_45, %add3A_46 : i32
      %mul3A_48 = arith.constant 16384 : i32
      %mul3A_49 = arith.muli %add3A_47, %mul3A_48 : i32
      %add3A_50 = arith.addi %mul3A_2, %mul3A_49 : i32
      %dma_wait3A_51 = tpu.memref_slice %arg2[%add3A_50] : memref<33554432xf32, #tpu.memory_space<hbm>> -> memref<16384xf32, #tpu.memory_space<hbm>>
      %dma_wait3A_52 = tpu.memref_slice %arg2[%add3A_50] : memref<33554432xf32, #tpu.memory_space<hbm>> -> memref<16384xf32, #tpu.memory_space<hbm>>
      tpu.wait_dma2 semaphore(%arg11 : memref<!tpu.dma_semaphore, #tpu.memory_space<semaphore_mem>>) src(%dma_wait3A_52 : memref<16384xf32, #tpu.memory_space<hbm>>) dst(%arg7 : memref<16384xf32, #tpu.memory_space<vmem>>)
      %ge3A_53 = arith.constant 2 : i32
      %ge3A_54 = arith.cmpi sge, %add3A_47, %ge3A_53 : i32
      %convert_element_type3A_55 = arith.extui %ge3A_54 : i1 to i32
      %cond3A_56 = arith.constant 0 : i32
      %cond3A_57 = arith.cmpi ne, %convert_element_type3A_55, %cond3A_56 : i32
      scf.if %cond3A_57 {
        %sub3A = arith.constant 32768 : i32
        %sub3A_70 = arith.subi %add3A_50, %sub3A : i32
        %dma_wait3A_71 = tpu.memref_slice %arg4[%sub3A_70] : memref<33554432xf32, #tpu.memory_space<hbm>> -> memref<16384xf32, #tpu.memory_space<hbm>>
        %dma_wait3A_72 = tpu.memref_slice %arg4[%sub3A_70] : memref<33554432xf32, #tpu.memory_space<hbm>> -> memref<16384xf32, #tpu.memory_space<hbm>>
        tpu.wait_dma2 semaphore(%arg13 : memref<!tpu.dma_semaphore, #tpu.memory_space<semaphore_mem>>) src(%arg9 : memref<16384xf32, #tpu.memory_space<vmem>>) dst(%dma_wait3A_72 : memref<16384xf32, #tpu.memory_space<hbm>>)
      } else {
      }
      %parallel_loop3A_58 = arith.constant 0 : i32
      %parallel_loop3A_59 = arith.constant 1024 : i32
      %parallel_loop3A_60 = arith.constant 1 : i32
      scf.for %parallel_loop3A_70 = %parallel_loop3A_58 to %parallel_loop3A_59 step %parallel_loop3A_60  : i32 {
        %parallel_loop3A_71 = arith.constant 16 : i32
        %parallel_loop3A_72 = arith.muli %parallel_loop3A_70, %parallel_loop3A_71 : i32
        %parallel_loop3A_73 = arith.index_cast %parallel_loop3A_72 : i32 to index
        %parallel_loop3A_74 = tpu.vector_load %arg7[%parallel_loop3A_73] {strides = array<i32>} : memref<16384xf32, #tpu.memory_space<vmem>>, vector<16xf32>,
        %parallel_loop3A_75 = arith.constant 6.553600e+04 : f32
        %parallel_loop3A_76 = vector.broadcast %parallel_loop3A_75 : f32 to vector<16xf32>
        %parallel_loop3A_77 = arith.mulf %parallel_loop3A_74, %parallel_loop3A_76 : vector<16xf32>
        %parallel_loop3A_78 = arith.constant 0x4B400000 : f32
        %parallel_loop3A_79 = vector.broadcast %parallel_loop3A_78 : f32 to vector<16xf32>
        %parallel_loop3A_80 = arith.addf %parallel_loop3A_77, %parallel_loop3A_79 : vector<16xf32>
        %parallel_loop3A_81 = vector.bitcast %parallel_loop3A_80 : vector<16xf32> to vector<16xi32>
        %parallel_loop3A_82 = arith.constant 1262485504 : i32
        %parallel_loop3A_83 = vector.broadcast %parallel_loop3A_82 : i32 to vector<16xi32>
        %parallel_loop3A_84 = arith.subi %parallel_loop3A_81, %parallel_loop3A_83 : vector<16xi32>
        %parallel_loop3A_85 = arith.constant 4 : i32
        %parallel_loop3A_86 = vector.broadcast %parallel_loop3A_85 : i32 to vector<16xi32>
        %parallel_loop3A_87 = arith.shrsi %parallel_loop3A_84, %parallel_loop3A_86 : vector<16xi32>
        %parallel_loop3A_88 = arith.constant 0 : i32
        %parallel_loop3A_89 = vector.broadcast %parallel_loop3A_88 : i32 to vector<16xi32>
        %parallel_loop3A_90 = arith.subi %parallel_loop3A_89, %parallel_loop3A_87 : vector<16xi32>
        %parallel_loop3A_91 = arith.maxsi %parallel_loop3A_87, %parallel_loop3A_90 : vector<16xi32>
        %parallel_loop3A_92 = arith.constant 16383 : i32
        %parallel_loop3A_93 = vector.broadcast %parallel_loop3A_92 : i32 to vector<16xi32>
        %parallel_loop3A_94 = arith.minsi %parallel_loop3A_91, %parallel_loop3A_93 : vector<16xi32>
        %parallel_loop3A_95 = tpu.vector_load_idx %arg5[%parallel_loop3A_94] : memref<16384xf32, #tpu.memory_space<vmem>>[vector<16xi32>], vector<16xf32>,
        %parallel_loop3A_96 = arith.constant 0 : i32
        %parallel_loop3A_97 = vector.broadcast %parallel_loop3A_96 : i32 to vector<16xi32>
        %parallel_loop3A_98 = arith.cmpi sge, %parallel_loop3A_84, %parallel_loop3A_97 : vector<16xi32>
        %parallel_loop3A_99 = arith.constant 0.000000e+00 : f32
        %parallel_loop3A_100 = vector.broadcast %parallel_loop3A_99 : f32 to vector<16xf32>
        %parallel_loop3A_101 = arith.select %parallel_loop3A_98, %parallel_loop3A_74, %parallel_loop3A_100 : vector<16xi1>, vector<16xf32>
        %parallel_loop3A_102 = arith.subf %parallel_loop3A_101, %parallel_loop3A_95 : vector<16xf32>
        %parallel_loop3A_103 = arith.index_cast %parallel_loop3A_72 : i32 to index
        %parallel_loop3A_104 = tpu.vector_load %arg9[%parallel_loop3A_103] {strides = array<i32>} : memref<16384xf32, #tpu.memory_space<vmem>>, vector<16xf32>,
        tpu.vector_store %arg9[%parallel_loop3A_103], %parallel_loop3A_102 {strides = array<i32>} : memref<16384xf32, #tpu.memory_space<vmem>>, vector<16xf32>,
      } {sc.loop_unroll_factor = 8 : i64, sc.parallel_access}
      %dma_start3A_61 = tpu.memref_slice %arg4[%add3A_50] : memref<33554432xf32, #tpu.memory_space<hbm>> -> memref<16384xf32, #tpu.memory_space<hbm>>
      %dma_start3A_62 = tpu.memref_slice %arg4[%add3A_50] : memref<33554432xf32, #tpu.memory_space<hbm>> -> memref<16384xf32, #tpu.memory_space<hbm>>
      tpu.enqueue_dma source(%arg9 : memref<16384xf32, #tpu.memory_space<vmem>>) target(%dma_start3A_62 : memref<16384xf32, #tpu.memory_space<hbm>>) target_semaphore(%arg13 : memref<!tpu.dma_semaphore, #tpu.memory_space<semaphore_mem>>)
      %add3A_63 = arith.constant 2 : i32
      %add3A_64 = arith.addi %add3A_47, %add3A_63 : i32
      %lt3A_65 = arith.constant 64 : i32
      %lt3A_66 = arith.cmpi slt, %add3A_64, %lt3A_65 : i32
      %convert_element_type3A_67 = arith.extui %lt3A_66 : i1 to i32
      %cond3A_68 = arith.constant 0 : i32
      %cond3A_69 = arith.cmpi ne, %convert_element_type3A_67, %cond3A_68 : i32
      scf.if %cond3A_69 {
        %add3A_70 = arith.constant 32768 : i32
        %add3A_71 = arith.addi %add3A_50, %add3A_70 : i32
        %dma_start3A_72 = tpu.memref_slice %arg2[%add3A_71] : memref<33554432xf32, #tpu.memory_space<hbm>> -> memref<16384xf32, #tpu.memory_space<hbm>>
        %dma_start3A_73 = tpu.memref_slice %arg2[%add3A_71] : memref<33554432xf32, #tpu.memory_space<hbm>> -> memref<16384xf32, #tpu.memory_space<hbm>>
        tpu.enqueue_dma source(%dma_start3A_73 : memref<16384xf32, #tpu.memory_space<hbm>>) target(%arg7 : memref<16384xf32, #tpu.memory_space<vmem>>) target_semaphore(%arg11 : memref<!tpu.dma_semaphore, #tpu.memory_space<semaphore_mem>>)
      } else {
      }
    }
    %scan3A_14 = arith.constant 32 : i32
    %add3A_15 = arith.constant 1015808 : i32
    %add3A_16 = arith.addi %mul3A_2, %add3A_15 : i32
    %dma_wait3A = tpu.memref_slice %arg4[%add3A_16] : memref<33554432xf32, #tpu.memory_space<hbm>> -> memref<16384xf32, #tpu.memory_space<hbm>>
    %dma_wait3A_17 = tpu.memref_slice %arg4[%add3A_16] : memref<33554432xf32, #tpu.memory_space<hbm>> -> memref<16384xf32, #tpu.memory_space<hbm>>
    tpu.wait_dma2 semaphore(%arg12 : memref<!tpu.dma_semaphore, #tpu.memory_space<semaphore_mem>>) src(%arg8 : memref<16384xf32, #tpu.memory_space<vmem>>) dst(%dma_wait3A_17 : memref<16384xf32, #tpu.memory_space<hbm>>)
    %add3A_18 = arith.constant 1032192 : i32
    %add3A_19 = arith.addi %mul3A_2, %add3A_18 : i32
    %dma_wait3A_20 = tpu.memref_slice %arg4[%add3A_19] : memref<33554432xf32, #tpu.memory_space<hbm>> -> memref<16384xf32, #tpu.memory_space<hbm>>
    %dma_wait3A_21 = tpu.memref_slice %arg4[%add3A_19] : memref<33554432xf32, #tpu.memory_space<hbm>> -> memref<16384xf32, #tpu.memory_space<hbm>>
    tpu.wait_dma2 semaphore(%arg13 : memref<!tpu.dma_semaphore, #tpu.memory_space<semaphore_mem>>) src(%arg9 : memref<16384xf32, #tpu.memory_space<vmem>>) dst(%dma_wait3A_21 : memref<16384xf32, #tpu.memory_space<hbm>>)
    return
  }
}

</mosaic_0001>

<sc_bundles>
// kernel: kernel.3.cloned.1.call-start
scs
__scs_entry_jumppad:
0x0: {  	(pc) =	sbr.rel $0x88, $3  }
0x1: {  	(tag) =	ssettag $0x0;
	lr =	simm.s32 $0x1  }
0x2: {  	[smem:$0x3F9F] =	sst lr;
	_ =	strace $0xD0000000  }
0x3: {  	_ = 	snop  }
0x4: {  	_ = 	snop  }
0x5: {  	_ = 	snop  }
0x6: {  	_ = 	snop  }
0x7: {  	_ = 	snop  }
__scs_overlays_trampoline_lowered:
0x8: {  	[smem:$0x3FAE] =	sst s0  }
0x9: {  	[smem:$0x3FAF] =	sst s1  }
0xa: {  	[smem:$0x3FB0] =	sst s2  }
0xb: {  	[smem:$0x3FB1] =	sst s3  }
0xc: {  	[smem:$0x3FB2] =	sst s4  }
0xd: {  	[smem:$0x3FB3] =	sst s5  }
0xe: {  	[smem:$0x3FB4] =	sst s6  }
0xf: {  	[smem:$0x3FB5] =	sst s7  }
0x10: {  	[smem:$0x3FB6] =	sst s8  }
0x11: {  	[smem:$0x3FB7] =	sst s9;
	s0 =	simm.s32 @!p0 $0x0  }
0x12: {  	s1 =	sld [smem:$0x3F9D];
	s0 =	simm.s32 @p0 $0x1  }
0x13: {  	[smem:$0x3FB8] =	sst s0;
	s0 =	simm.s32 @!p1 $0x0  }
0x14: {  	s2 =	sld [smem:$0x3F9C];
	s0 =	simm.s32 @p1 $0x1  }
0x15: {  	[smem:$0x3FB9] =	sst s0;
	s0 =	simm.s32 @!p2 $0x0  }
0x16: {  	s3 =	sld [smem:$0x3FDB];
	s0 =	simm.s32 @p2 $0x1  }
0x17: {  	s4 =	simm.s32 $0x1BF5;
	[smem:$0x3FBB] =	sst s0  }
0x18: {  	s0 =	sld [smem:$0x3F9E];
	_ =	swait.ge [sflag:s4], $0x0  }
0x19: {  	s7 =	sld [smem:$0x3F9F]  }
0x1a: {  	s8 =	sadd.s32 $0xFFFFE003, lr  }
0x1b: {  	s9 =	sadd.s32 $0xFFFFFEF7, lr;
	s5 =	simm.s32 $0xFFFFFFFF;
	p2 =	slt.u32 s8, $0xFFFFF086  }
0x1c: {  	p1 =	slt.u32 s9, $0xF7A;
	s5 =	simm.s32 @!p2 $0x0  }
0x1d: {  	s5 =	simm.s32 @p1 $0x1;
	p0 =	seq.s32 s7, s2  }
0x1e: {  	s7 =	smul.u32 @!p0 $0xF7A, s2;
	p2 =	seq.s32 @!p0 s5, $0x0  }
0x1f: {  	s9 =	smul.u32 $0xF7A, s1;
	s8 =	simm.s32 @!p0 $0x1BF5;
	p2 =	por !p2, p0  }
0x20: {  	[sflag:s8] =	ssyncset.s32 @!p0 $0xFFFFF086;
	s6 =	sadd.s32 @!p0 s3, s7;
	s7 =	simm.s32 @!p0 $0x108  }
0x21: {  	s3 =	sadd.s32 s3, s9;
	s6 =	sadd.s32 @!p0 $0x88, s6;
	s7 =	simm.s32 @p2 $0x1082  }
0x22: {  	[simem:s7], [sflag:s8] =	dma.local @!p0 [hbm:s6], $0xF7A  }
0x23: {  	s9 =	sor.u32 $0xD0000000, s2;
	s6 =	simm.s32 $0x108;
	_ =	swait.ge @!p0 [sflag:s8], $0x0  }
0x24: {  	s3 =	sadd.s32 $0x88, s3;
	s6 =	simm.s32 @!p1 $0x1082;
	[sflag:s4] =	ssyncset.s32 $0xFFFFF086  }
0x25: {  	[simem:s6], [sflag:s4] =	dma.local [hbm:s3], $0xF7A  }
0x26: {  	[smem:$0x3F9F] =	sst s1;
	(tag) =	ssettag s2;
	_ =	strace s9  }
0x27: {  	s1 =	sld [smem:$0x3FAF]  }
0x28: {  	s2 =	sld [smem:$0x3FB0]  }
0x29: {  	s4 =	sld [smem:$0x3FB2]  }
0x2a: {  	p0 =	seq.s32 s5, $0x0;
	s5 =	sld [smem:$0x3FB3]  }
0x2b: {  	s6 =	sld [smem:$0x3FB4]  }
0x2c: {  	s7 =	sld [smem:$0x3FB5]  }
0x2d: {  	s3 =	simm.s32 $0x108;
	s8 =	sld [smem:$0x3FB6]  }
0x2e: {  	s3 =	simm.s32 @!p0 $0x1082;
	s9 =	sld [smem:$0x3FB7]  }
0x2f: {  	lr =	sadd.s32 s0, s3;
	s0 =	sld [smem:$0x3FAE]  }
0x30: {  	s3 =	sld [smem:$0x3FB1]  }
0x31: {  	[smem:$0x3FBA] =	sst s10  }
0x32: {  	s10 =	sld [smem:$0x3FB8];
	_ =	sdelay $0x3  }
0x33: {  	p0 =	seq.s32 s10, $0x1;
	s10 =	sld [smem:$0x3FBA];
	_ =	sdelay $0x3  }
0x34: {  	[smem:$0x3FBA] =	sst s10  }
0x35: {  	s10 =	sld [smem:$0x3FB9];
	_ =	sdelay $0x3  }
0x36: {  	p1 =	seq.s32 s10, $0x1;
	s10 =	sld [smem:$0x3FBA];
	_ =	sdelay $0x3  }
0x37: {  	[smem:$0x3FBA] =	sst s10  }
0x38: {  	s10 =	sld [smem:$0x3FBB]  }
0x39: {  	_ = 	snop;
	(pc) =	sbr.ind lr, $3  }
0x3a: {  	_ = 	snop  }
0x3b: {  	_ = 	snop  }
0x3c: {  	p2 =	seq.s32 s10, $0x1;
	s10 =	sld [smem:$0x3FBA]  }
0x3d: {  	_ =	shalt  }
0x3e: {  	_ =	shalt  }
0x3f: {  	_ =	shalt  }
0x40: {  	_ =	shalt  }
0x41: {  	_ =	shalt  }
0x42: {  	_ =	shalt  }
0x43: {  	_ =	shalt  }
0x44: {  	_ =	shalt  }
0x45: {  	_ =	shalt  }
0x46: {  	_ =	shalt  }
0x47: {  	_ =	shalt  }
0x48: {  	_ =	shalt  }
0x49: {  	_ =	shalt  }
0x4a: {  	_ =	shalt  }
0x4b: {  	_ =	shalt  }
0x4c: {  	_ =	shalt  }
0x4d: {  	_ =	shalt  }
0x4e: {  	_ =	shalt  }
0x4f: {  	_ =	shalt  }
0x50: {  	_ =	shalt  }
0x51: {  	_ =	shalt  }
0x52: {  	_ =	shalt  }
0x53: {  	_ =	shalt  }
0x54: {  	_ =	shalt  }
0x55: {  	_ =	shalt  }
0x56: {  	_ =	shalt  }
0x57: {  	_ =	shalt  }
0x58: {  	_ =	shalt  }
0x59: {  	_ =	shalt  }
0x5a: {  	_ =	shalt  }
0x5b: {  	_ =	shalt  }
0x5c: {  	_ =	shalt  }
0x5d: {  	_ =	shalt  }
0x5e: {  	_ =	shalt  }
0x5f: {  	_ =	shalt  }
0x60: {  	_ =	shalt  }
0x61: {  	_ =	shalt  }
0x62: {  	_ =	shalt  }
0x63: {  	_ =	shalt  }
0x64: {  	_ =	shalt  }
0x65: {  	_ =	shalt  }
0x66: {  	_ =	shalt  }
0x67: {  	_ =	shalt  }
0x68: {  	_ =	shalt  }
0x69: {  	_ =	shalt  }
0x6a: {  	_ =	shalt  }
0x6b: {  	_ =	shalt  }
0x6c: {  	_ =	shalt  }
0x6d: {  	_ =	shalt  }
0x6e: {  	_ =	shalt  }
0x6f: {  	_ =	shalt  }
0x70: {  	_ =	shalt  }
0x71: {  	_ =	shalt  }
0x72: {  	_ =	shalt  }
0x73: {  	_ =	shalt  }
0x74: {  	_ =	shalt  }
0x75: {  	_ =	shalt  }
0x76: {  	_ =	shalt  }
0x77: {  	_ =	shalt  }
0x78: {  	_ =	shalt  }
0x79: {  	_ =	shalt  }
0x7a: {  	_ =	shalt  }
0x7b: {  	_ =	shalt  }
0x7c: {  	_ =	shalt  }
0x7d: {  	_ =	shalt  }
0x7e: {  	_ =	shalt  }
0x7f: {  	_ =	shalt  }
0x80: {  	_ =	shalt  }
0x81: {  	_ =	shalt  }
0x82: {  	_ =	shalt  }
0x83: {  	_ =	shalt  }
0x84: {  	_ =	shalt  }
0x85: {  	_ =	shalt  }
0x86: {  	_ =	shalt  }
0x87: {  	_ =	shalt  }
.Lfunc_end0:
.L_simem_size_0:
called_computation.1_lowered:
.L_overlay_start_0:
0x88: {  	s2 =	sld [smem:$0x3FD9]  }
0x89: {  	s3 =	sld [smem:$0x3FFE];
	_ =	sdelay $0x1  }
0x8a: {  	s1 =	srdreg.scid  }
0x8b: {  	s0 =	sand.u32 $0x1, s1  }
0x8c: {  	s17 =	sshll.u32 s0, $0xA;
	s2 =	sadd.s32 s3, s2  }
0x8d: {  	s2 =	sadd.s32 s2, s17  }
0x8e: {  	[smem:$0x3FC6] =	sst s2  }
0x8f: {  	_ = 	snop  }
0x90: {  	s2 =	sld [smem:$0x3FC8]  }
0x91: {  	s18 =	sld [smem:$0x3FD0];
	(tm) =	ssettm $0x1  }
0x92: {  	s4 =	sld [smem:$0x3FFB];
	_ =	sdelay $0x3  }
0x93: {  	_ =	strace s4  }
0x94: {  	s4 =	sld [smem:$0x3FFC];
	_ =	sdelay $0x3  }
0x95: {  	_ =	strace s4  }
0x96: {  	s4 =	sld [smem:$0x3FFD];
	_ =	sdelay $0x3  }
0x97: {  	_ =	strace s4  }
0x98: {  	_ =	strace $0x8FFFFFFF  }
0x99: {  	s19 =	sld [smem:$0x3FDB];
	_ =	sdelay $0x1  }
0x9a: {  	s5 =	simm.s32 $_scs_section_size  }
0x9b: {  	s6 =	simm.s32 $_size__tile_overlayer_lowered;
	s7 =	simm.s32 $_tile_overlayer_lowered  }
0x9c: {  	s22 =	simm.s32 $0x1BFF;
	s21 =	sshll.u32 s7, $0x1;
	s4 =	sadd.s32 s5, s19  }
0x9d: {  	s8 =	simm.s32 $0x0;
	s20 =	sshll.u32 s6, $0x1;
	s6 =	sadd.s32 s21, s4  }
0x9e: {  	[timem:s8], [sflag:s22] =	dma.local [hbm:s6], s20  }
0x9f: {  	_ =	swait.ge [sflag:s22], s20  }
0xa0: {  	s5 =	ssub.s32 $0x0, s20;
	[sflag:s22] =	ssyncset.done $0x0  }
0xa1: {  	[sflag:s22] =	ssyncadd.s32 s5;
	_ =	sdelay $0x1  }
0xa2: {  	s23 =	simm.s32 $0x1B8B  }
0xa3: {  	_ =	swait.ge [sflag:s23], $0x1  }
0xa4: {  	[sflag:s23] =	ssyncset.done $0x0  }
0xa5: {  	s25 =	simm.s32 $0x1B8E;
	s24 =	sld [smem:$0x3FFE];
	[sflag:s23] =	ssyncadd.s32 $0xFFFFFFFF  }
0xa6: {  	s26 =	simm.s32 $execute0_lowered;
	[smem:$0x3FD2] =	sst s25  }
0xa7: {  	s6 =	sshll.u32 s26, $0x1;
	_ =	strace $0x80000049;
	[dreg:$0x1] =	wrdreg $0xFFFFFFFF  }
0xa8: {  	s28 =	simm.s32 $_size_execute0_lowered;
	s4 =	sadd.s32 s4, s6;
	[dreg:$0x0] =	wrdreg $0x0  }
0xa9: {  	s6 =	sshll.u32 s28, $0x1;
	[dreg:$0x2] =	wrdreg s4  }
0xaa: {  	[dreg:$0x3] =	wrdreg s6  }
0xab: {  	[dreg:$0x4] =	wrdreg $0xC0  }
0xac: {  	_ =	task [dreg:s8], $0x5FFFF  }
0xad: {  	[dreg:$0x1] =	wrdreg $0xFFFFFFFF  }
0xae: {  	[dreg:$0x0] =	wrdreg $0x60  }
0xaf: {  	[dreg:$0x2] =	wrdreg s18  }
0xb0: {  	[dreg:$0x3] =	wrdreg s2  }
0xb1: {  	[dreg:$0x4] =	wrdreg s24  }
0xb2: {  	[dreg:$0x5] =	wrdreg $0x9  }
0xb3: {  	_ =	task.clear_ibuf [dreg:s8], $0x6FFFF;
	_ =	strace $0x90000049  }
0xb4: {  	s29 =	simm.s32 $0x9;
	_ =	strace $0x8000004B  }
0xb5: {  	_ =	swait.ge [sflag:s29], $0x1  }
0xb6: {  	[sflag:s29] =	ssyncadd.s32 $0xFFFFFFFF  }
0xb7: {  	_ =	strace $0x9000004B  }
0xb8: {  	_ =	sfence  }
0xb9: {  	s30 =	sld [smem:$0x0];
	_ =	sdelay $0x2  }
0xba: {  	s31 =	sshll.u32 s1, $0xD;
	s1 =	sshrl.u32 s1, $0x2  }
0xbb: {  	s3 =	sand.u32 $0x4000, s31;
	s1 =	sadd.s32 s1, s30  }
0xbc: {  	s0 =	sor.u32 s3, s0;
	s1 =	sshll.u32 s1, $0x11  }
0xbd: {  	s0 =	sor.u32 s1, s0  }
0xbe: {  	s0 =	sadd.s32 $0x8F2B, s0  }
0xbf: {  	[sflag:s0] =	ssyncadd.remote.s32 $0x1  }
0xc0: {  	_ =	sfence.sel $0xFFFF  }
0xc1: {  	[dreg:$0x0] =	wrdreg $0xFFFFFFFF;
	(pc) =	sbr.abs _section_cstart, $3  }
0xc2: {  	[dreg:$0x1] =	wrdreg $0xFFFFFFFF  }
0xc3: {  	_ =	task.clear_ibuf [dreg:s8], $0x2FFFF;
	_ =	strace $0x9FFFFFFF  }
0xc4: {  	(tm) =	ssettm $0x7FFFFFFF  }
0xc5: {  	_ =	shalt  }
tec
execute0_lowered:
.L_overlay_start_1:
0x0: {  	(tag) =	ssettag $0x1  }
0x1: {  	s1 =	rddreg [dreg:$0x0]  }
0x2: {  	s3 =	rddreg [dreg:$0x1]  }
0x3: {  	s6 =	rddreg [dreg:$0x2]  }
0x4: {  	s4 =	srdreg.scid;
	s0 =	rddreg [dreg:$0x3]  }
0x5: {  	s2 =	stileid.u32;
	s10 =	simm.s32 $0x5;
	s11 =	simm.s32 $0x4000  }
0x6: {  	s12 =	simm.s32 $0x8000;
	s13 =	simm.s32 $0x1;
	s14 =	simm.s32 $0xC000  }
0x7: {  	s15 =	simm.s32 $0x2;
	s16 =	simm.s32 $0x4;
	s17 =	simm.s32 $0x10000  }
0x8: {  	s18 =	simm.s32 $0x3;
	s19 =	simm.s32 $0x0;
	s5 =	sand.u32 $0x1, s4  }
.Ltmp0:
0x9: {  	s7 =	sshll.u32 s2, $0x15;
	s8 =	sshll.u32 s5, $0x14;
	(pc) =	sbr.rel .LBB2_1-.Ltmp0, $4  }
0xa: {  	s4 =	simm.s32 $0x0;
	s9 =	ssub.s32 $0x2, s5;
	s5 =	sor.u32 s8, s7  }
0xb: {  	s6 =	sadd.s32 $0x800, s6;
	s31 =	sshrl.u32 s9, $0x1;
	s8 =	sshrl.u32 s5, $0x3  }
0xc: {  	[smem:$0x7FF] =	sst s4;
	s9 =	ssub.s32 s9, s31;
	s7 =	sadd.s32 s1, s8  }
0xd: {  	_ =	strace $0x8000004A;
	s9 =	smax.u32 s9, $0x1;
	s8 =	sadd.s32 $0x800, s7  }
.LBB2_12:
0xe: {  	s19 =	sadd.s32 $0x1, s19  }
0xf: {  	_ =	swait.ge [sflag:s18], $0x4000;
	p0 =	sne.s32 s19, s9  }
.Ltmp1:
0x10: {  	[sflag:s18] =	ssyncset.done $0x0;
	(pc) =	sbr.rel @!p0 .LBB2_13-.Ltmp1, $4  }
0x11: {  	[sflag:s18] =	ssyncadd.s32 $0xFFFFC000  }
0x12: {  	_ =	swait.ge [sflag:s16], $0x4000  }
0x13: {  	[sflag:s16] =	ssyncset.done $0x0  }
0x14: {  	[sflag:s16] =	ssyncadd.s32 $0xFFFFC000  }
.LBB2_1:
0x15: {  	[tilespmem:s4], [sflag:$0x5] =	stream.linear.gather [hbm4b:s3+s4], $0x4000, $0x38;
	[tilespmem:$0x14000] =	vst v63  }
0x16: {  	_ =	swait.ge [sflag:s10], $0x4000  }
0x17: {  	[sflag:s10] =	ssyncset.done $0x0  }
0x18: {  	[sflag:s10] =	ssyncadd.s32 $0xFFFFC000  }
0x19: {  	[tilespmem:s11], [sflag:$0x1] =	stream.linear.gather [hbm4b:s7+s4], $0x4000, $0x38;
	[tilespmem:$0x14000] =	vst v63  }
0x1a: {  	s20 =	simm.s32 $0x0  }
0x1b: {  	[tilespmem:s12], [sflag:$0x2] =	stream.linear.gather [hbm4b:s8+s4], $0x4000, $0x38;
	[tilespmem:$0x14000] =	vst v63  }
.LBB2_2:
0x1c: {  	_ =	swait.ge [sflag:s13], $0x4000  }
0x1d: {  	p0 =	seq.s32 s20, $0x0;
	[sflag:s13] =	ssyncset.done $0x0  }
0x1e: {  	s21 =	simm.s32 @!p0 $0x3;
	[sflag:s13] =	ssyncadd.s32 $0xFFFFC000  }
0x1f: {  	_ =	swait.ge @!p0 [sflag:s21], $0x4000  }
0x20: {  	[sflag:s21] =	ssyncset.done @!p0 $0x0  }
0x21: {  	s29 =	simm.s32 $0x4040;
	[sflag:s21] =	ssyncadd.s32 @!p0 $0xFFFFC000  }
0x22: {  	v0 =	vld [tilespmem:s29+$0x30]  }
0x23: {  	v3 =	vld [tilespmem:s29+$0xFFFFFFD0]  }
0x24: {  	v4 =	vld [tilespmem:s29+$0xFFFFFFE0]  }
0x25: {  	v9 =	vld [tilespmem:s29+$0xFFFFFFF0]  }
0x26: {  	v10 =	vld [tilespmem:s29+$0x0]  }
0x27: {  	v12 =	vld [tilespmem:s29+$0x10]  }
0x28: {  	v14 =	vld [tilespmem:s29+$0x20]  }
0x29: {  	v6 =	vld [tilespmem:s29+$0xFFFFFFC0]  }
0x2a: {  	v1 =	vmul.f32 $6.553600000e+04, v0;
	v2 =	vmul.f32 $6.553600000e+04, v3  }
0x2b: {  	v5 =	vmul.f32 $6.553600000e+04, v4;
	v7 =	vmul.f32 $6.553600000e+04, v9  }
0x2c: {  	v8 =	vmul.f32 $6.553600000e+04, v10;
	v11 =	vmul.f32 $6.553600000e+04, v12;
	v1 =	vadd.f32 $1.258291200e+07, v1  }
0x2d: {  	v15 =	vmul.f32 $6.553600000e+04, v14;
	v2 =	vadd.f32 $1.258291200e+07, v2;
	v5 =	vadd.f32 $1.258291200e+07, v5  }
0x2e: {  	v17 =	vmul.f32 $6.553600000e+04, v6;
	v7 =	vadd.f32 $1.258291200e+07, v7;
	v8 =	vadd.f32 $1.258291200e+07, v8  }
0x2f: {  	v11 =	vadd.f32 $1.258291200e+07, v11;
	v15 =	vadd.f32 $1.258291200e+07, v15;
	v1 =	vadd.s32 $0xB4C00000, v1  }
0x30: {  	v2 =	vadd.s32 $0xB4C00000, v2;
	v7 =	vadd.s32 $0xB4C00000, v7;
	v8 =	vadd.s32 $0xB4C00000, v8  }
0x31: {  	v11 =	vadd.s32 $0xB4C00000, v11;
	v15 =	vadd.s32 $0xB4C00000, v15;
	v13 =	vshra.s32 v1, $0x4  }
0x32: {  	v20 =	vshra.s32 v7, $0x4;
	v21 =	vshra.s32 v8, $0x4;
	v23 =	vshra.s32 v11, $0x4  }
0x33: {  	v24 =	vshra.s32 v15, $0x4;
	vm0 =	vgt.s32 v1, $0xFFFFFFFF;
	vm1 =	vgt.s32 v2, $0xFFFFFFFF  }
0x34: {  	vm3 =	vgt.s32 v7, $0xFFFFFFFF;
	vm4 =	vgt.s32 v8, $0xFFFFFFFF;
	vm5 =	vgt.s32 v11, $0xFFFFFFFF  }
0x35: {  	vm6 =	vgt.s32 v15, $0xFFFFFFFF;
	v16 =	vsub.s32 $0x0, v13;
	v27 =	vsub.s32 $0x0, v20  }
0x36: {  	v28 =	vsub.s32 $0x0, v21;
	v29 =	vsub.s32 $0x0, v23;
	v30 =	vsub.s32 $0x0, v24  }
0x37: {  	v0 =	vnsel vm0, $0x0, v0;
	v7 =	vnsel vm1, $0x0, v3;
	v9 =	vnsel vm3, $0x0, v9  }
0x38: {  	v11 =	vnsel vm4, $0x0, v10;
	v12 =	vnsel vm5, $0x0, v12;
	v10 =	vnsel vm6, $0x0, v14  }
0x39: {  	s30 =	simm.s32 $0x40C0;
	v13 =	vmin.u32 v13, v16;
	v16 =	vadd.f32 $1.258291200e+07, v17;
	v17 =	vadd.s32 $0xB4C00000, v5  }
0x3a: {  	v20 =	vmin.u32 v20, v27;
	v21 =	vmin.u32 v21, v28;
	v27 =	vld [tilespmem:s30+$0x30];
	v13 =	vmin.u32 v13, $0x3FFF  }
0x3b: {  	v1 =	vmin.u32 v23, v29;
	v18 =	vshra.s32 v17, $0x4;
	v28 =	vmin.u32 v20, $0x3FFF  }
0x3c: {  	vm2 =	vgt.s32 v17, $0xFFFFFFFF;
	v5 =	vadd.s32 $0xB4C00000, v16;
	v16 =	vshra.s32 v2, $0x4;
	v2 =	vld [tilespmem:s30+$0x0]  }
0x3d: {  	v29 =	vmin.u32 v21, $0x3FFF;
	v26 =	vsub.s32 $0x0, v18;
	v8 =	vnsel vm2, $0x0, v4;
	v4 =	vld [tilespmem:s30+$0x20]  }
0x3e: {  	v19 =	vshra.s32 v5, $0x4;
	v25 =	vsub.s32 $0x0, v16;
	vm0 =	vgt.s32 v5, $0xFFFFFFFF;
	v5 =	vld [tilespmem:s30+$0xFFFFFFD0]  }
0x3f: {  	v18 =	vmin.u32 v18, v26;
	v22 =	vsub.s32 $0x0, v19;
	v15 =	vmul.f32 $6.553600000e+04, v27;
	v13 =	vld.idx.msk [tilespmem:v13+s4+$0x0], $0xffff  }
0x40: {  	v19 =	vmin.u32 v19, v22;
	v22 =	vmin.u32 v24, v30;
	v30 =	vmin.u32 v1, $0x3FFF;
	v1 =	vld [tilespmem:s30+$0xFFFFFFE0]  }
0x41: {  	v16 =	vmin.u32 v16, v25;
	v26 =	vmin.u32 v18, $0x3FFF;
	v15 =	vadd.f32 $1.258291200e+07, v15  }
0x42: {  	v6 =	vnsel vm0, $0x0, v6;
	v24 =	vmin.u32 v16, $0x3FFF;
	v19 =	vmin.u32 v19, $0x3FFF  }
0x43: {  	v34 =	vmin.u32 v22, $0x3FFF;
	v18 =	vmul.f32 $6.553600000e+04, v2;
	v22 =	vadd.s32 $0xB4C00000, v15  }
0x44: {  	v16 =	vmul.f32 $6.553600000e+04, v5;
	v20 =	vshra.s32 v22, $0x4;
	v25 =	vsub.f32 v0, v13;
	v0 =	vld [tilespmem:s30+$0xFFFFFFF0]  }
0x45: {  	v21 =	vmul.f32 $6.553600000e+04, v4;
	v17 =	vmul.f32 $6.553600000e+04, v1;
	v13 =	vld [tilespmem:s30+$0xFFFFFFC0];
	v23 =	vsub.s32 $0x0, v20  }
0x46: {  	v3 =	vld [tilespmem:s30+$0x10];
	v18 =	vadd.f32 $1.258291200e+07, v18;
	v14 =	vadd.f32 $1.258291200e+07, v16;
	v23 =	vmin.u32 v20, v23  }
0x47: {  	vm0 =	vgt.s32 v22, $0xFFFFFFFF;
	v17 =	vadd.f32 $1.258291200e+07, v17;
	v32 =	vmin.u32 v23, $0x3FFF  }
0x48: {  	v18 =	vadd.s32 $0xB4C00000, v18;
	v20 =	vadd.s32 $0xB4C00000, v14;
	v14 =	vadd.f32 $1.258291200e+07, v21  }
0x49: {  	v37 =	vshra.s32 v18, $0x4;
	v23 =	vadd.s32 $0xB4C00000, v17;
	v16 =	vmul.f32 $6.553600000e+04, v0  }
0x4a: {  	v44 =	vsub.s32 $0x0, v37;
	v33 =	vshra.s32 v23, $0x4;
	v31 =	vmul.f32 $6.553600000e+04, v13  }
0x4b: {  	v42 =	vsub.s32 $0x0, v33;
	v15 =	vadd.f32 $1.258291200e+07, v16;
	v16 =	vmul.f32 $6.553600000e+04, v3  }
0x4c: {  	v37 =	vmin.u32 v37, v44;
	v42 =	vmin.u32 v33, v42;
	v31 =	vadd.f32 $1.258291200e+07, v31;
	v41 =	vld.idx.msk [tilespmem:v32+s4+$0x0], $0xffff  }
0x4d: {  	v16 =	vadd.f32 $1.258291200e+07, v16;
	v21 =	vadd.s32 $0xB4C00000, v15;
	v15 =	vadd.s32 $0xB4C00000, v14;
	v14 =	vld.idx.msk [tilespmem:v19+s4+$0x0], $0xffff  }
0x4e: {  	v35 =	vadd.s32 $0xB4C00000, v31;
	v31 =	vshra.s32 v20, $0x4;
	v19 =	vld.idx.msk [tilespmem:v26+s4+$0x0], $0xffff;
	v26 =	vnsel vm0, $0x0, v27  }
0x4f: {  	v17 =	vshra.s32 v35, $0x4;
	v36 =	vshra.s32 v21, $0x4;
	v40 =	vshra.s32 v15, $0x4  }
0x50: {  	v61 =	vsub.s32 $0x0, v31;
	vm0 =	vgt.s32 v35, $0xFFFFFFFF;
	v16 =	vadd.s32 $0xB4C00000, v16  }
0x51: {  	v38 =	vsub.s32 $0x0, v17;
	v43 =	vsub.s32 $0x0, v36;
	v31 =	vmin.u32 v31, v61  }
0x52: {  	v39 =	vshra.s32 v16, $0x4;
	v38 =	vmin.u32 v17, v38;
	v17 =	vld.idx.msk [tilespmem:v24+s4+$0x0], $0xffff;
	v24 =	vsub.s32 $0x0, v40  }
0x53: {  	v22 =	vld.idx.msk [tilespmem:v28+s4+$0x0], $0xffff;
	v36 =	vmin.u32 v36, v43;
	v32 =	vmin.u32 v31, $0x3FFF;
	v63 =	vsub.f32 v26, v41  }
0x54: {  	s23 =	simm.s32 $0xC040;
	v27 =	vld.idx.msk [tilespmem:v34+s4+$0x0], $0xffff;
	v31 =	vmin.u32 v42, $0x3FFF;
	v45 =	vsub.s32 $0x0, v39;
	v62 =	vmin.u32 v40, v24  }
0x55: {  	s31 =	sshll.u32 s20, $0xF;
	s22 =	simm.s32 $0xC0C0;
	[tilespmem:s23+$0x30] =	vst v25;
	v26 =	vld.idx.msk [tilespmem:v30+s4+$0x0], $0xffff;
	v33 =	vmin.u32 v38, $0x3FFF;
	v30 =	vmin.u32 v36, $0x3FFF;
	v28 =	vmin.u32 v39, v45  }
0x56: {  	s24 =	simm.s32 $0x8;
	s25 =	simm.s32 $0x4140;
	s21 =	sor.u32 s5, s31;
	v24 =	vld.idx.msk [tilespmem:v29+s4+$0x0], $0xffff;
	v29 =	vmin.u32 v37, $0x3FFF;
	v25 =	vmin.u32 v62, $0x3FFF;
	[tilespmem:s22+$0x30] =	vst v63;
	v28 =	vmin.u32 v28, $0x3FFF  }
.LBB2_3:
0x57: {  	v34 =	vld [tilespmem:s25+$0x30];
	s24 =	sadd.s32 $0x8, s24;
	vm1 =	vgt.s32 v20, $0xFFFFFFFF;
	vm2 =	vgt.s32 v23, $0xFFFFFFFF;
	vm3 =	vgt.s32 v21, $0xFFFFFFFF  }
0x58: {  	vm4 =	vgt.s32 v18, $0xFFFFFFFF;
	vm5 =	vgt.s32 v16, $0xFFFFFFFF;
	vm6 =	vgt.s32 v15, $0xFFFFFFFF;
	v20 =	vld [tilespmem:s25+$0xFFFFFFD0];
	p1 =	slt.u32 s24, $0x3F8  }
0x59: {  	v13 =	vnsel vm0, $0x0, v13;
	v5 =	vnsel vm1, $0x0, v5;
	v15 =	vnsel vm2, $0x0, v1;
	v1 =	vld [tilespmem:s25+$0xFFFFFFE0]  }
0x5a: {  	v16 =	vnsel vm3, $0x0, v0;
	v18 =	vnsel vm4, $0x0, v2;
	v21 =	vnsel vm5, $0x0, v3;
	v0 =	vld [tilespmem:s25+$0xFFFFFFF0]  }
0x5b: {  	v14 =	vsub.f32 v6, v14;
	v17 =	vsub.f32 v7, v17;
	v23 =	vnsel vm6, $0x0, v4;
	v6 =	vmovc v13;
	v7 =	vmovc v5;
	v2 =	vld [tilespmem:s25+$0x0]  }
0x5c: {  	v19 =	vsub.f32 v8, v19;
	v22 =	vsub.f32 v9, v22;
	v8 =	vmovc v15;
	v9 =	vmovc v16;
	v3 =	vld [tilespmem:s25+$0x10];
	v35 =	vmul.f32 $6.553600000e+04, v34  }
0x5d: {  	v16 =	vsub.f32 v11, v24;
	v24 =	vsub.f32 v12, v26;
	v15 =	vmul.f32 $6.553600000e+04, v20;
	v4 =	vld [tilespmem:s25+$0x20];
	[tilespmem:s23+$0xFFFFFFC0] =	vst v14;
	v5 =	vmovc v20  }
0x5e: {  	v27 =	vsub.f32 v10, v27;
	v11 =	vmovc v18;
	v12 =	vmovc v21;
	v13 =	vld [tilespmem:s25+$0xFFFFFFC0];
	v20 =	vmul.f32 $6.553600000e+04, v1;
	v26 =	vadd.f32 $1.258291200e+07, v35;
	[tilespmem:s23+$0xFFFFFFD0] =	vst v17  }
0x5f: {  	v10 =	vmov v23;
	v15 =	vadd.f32 $1.258291200e+07, v15;
	v18 =	vmul.f32 $6.553600000e+04, v0;
	v14 =	vld.idx.msk [tilespmem:v33+s4+$0x0], $0xffff;
	[tilespmem:s23+$0xFFFFFFE0] =	vst v19  }
0x60: {  	v21 =	vadd.f32 $1.258291200e+07, v20;
	v20 =	vmul.f32 $6.553600000e+04, v2;
	v33 =	vadd.s32 $0xB4C00000, v26;
	v17 =	vld.idx.msk [tilespmem:v32+s4+$0x0], $0xffff;
	[tilespmem:s23+$0xFFFFFFF0] =	vst v22  }
0x61: {  	v18 =	vadd.f32 $1.258291200e+07, v18;
	v23 =	vmul.f32 $6.553600000e+04, v3;
	v26 =	vshra.s32 v33, $0x4;
	v19 =	vld.idx.msk [tilespmem:v31+s4+$0x0], $0xffff;
	[tilespmem:s23+$0x0] =	vst v16  }
0x62: {  	v16 =	vadd.f32 $1.258291200e+07, v20;
	v31 =	vmul.f32 $6.553600000e+04, v4;
	v20 =	vsub.s32 $0x0, v26;
	v22 =	vld.idx.msk [tilespmem:v30+s4+$0x0], $0xffff;
	[tilespmem:s23+$0x10] =	vst v24  }
0x63: {  	v30 =	vmul.f32 $6.553600000e+04, v13;
	v32 =	vadd.f32 $1.258291200e+07, v23;
	v23 =	vmin.u32 v26, v20;
	v24 =	vld.idx.msk [tilespmem:v29+s4+$0x0], $0xffff;
	[tilespmem:s23+$0x20] =	vst v27;
	s23 =	smov.u32 s22  }
0x64: {  	v20 =	vadd.s32 $0xB4C00000, v15;
	v15 =	vadd.f32 $1.258291200e+07, v31;
	v29 =	vmin.u32 v23, $0x3FFF;
	v26 =	vld.idx.msk [tilespmem:v28+s4+$0x0], $0xffff  }
0x65: {  	v23 =	vadd.s32 $0xB4C00000, v21;
	v21 =	vadd.s32 $0xB4C00000, v18;
	v28 =	vadd.f32 $1.258291200e+07, v30;
	v27 =	vld.idx.msk [tilespmem:v25+s4+$0x0], $0xffff  }
0x66: {  	v18 =	vadd.s32 $0xB4C00000, v16;
	v16 =	vadd.s32 $0xB4C00000, v32;
	v15 =	vadd.s32 $0xB4C00000, v15  }
0x67: {  	v30 =	vshra.s32 v23, $0x4;
	v25 =	vadd.s32 $0xB4C00000, v28;
	v28 =	vshra.s32 v20, $0x4  }
0x68: {  	v32 =	vshra.s32 v21, $0x4;
	v35 =	vshra.s32 v18, $0x4;
	v31 =	vshra.s32 v25, $0x4  }
0x69: {  	v37 =	vshra.s32 v16, $0x4;
	v38 =	vshra.s32 v15, $0x4;
	v36 =	vsub.s32 $0x0, v31;
	v29 =	vld.idx.msk [tilespmem:v29+s4+$0x0], $0xffff  }
0x6a: {  	v40 =	vsub.s32 $0x0, v30;
	v41 =	vsub.s32 $0x0, v32;
	v39 =	vsub.s32 $0x0, v28  }
0x6b: {  	v42 =	vsub.s32 $0x0, v35;
	v43 =	vsub.s32 $0x0, v37;
	v44 =	vsub.s32 $0x0, v38  }
0x6c: {  	v30 =	vmin.u32 v30, v40;
	v28 =	vmin.u32 v28, v39;
	v31 =	vmin.u32 v31, v36  }
.Ltmp2:
0x6d: {  	vm0 =	vgt.s32 v33, $0xFFFFFFFF;
	v35 =	vmin.u32 v35, v42;
	v36 =	vmin.u32 v32, v41;
	(pc) =	sbr.rel @p1 .LBB2_3-.Ltmp2, $4  }
0x6e: {  	v34 =	vnsel vm0, $0x0, v34;
	v37 =	vmin.u32 v37, v43;
	v38 =	vmin.u32 v38, v44  }
0x6f: {  	v32 =	vmin.u32 v28, $0x3FFF;
	v33 =	vmin.u32 v31, $0x3FFF;
	v34 =	vsub.f32 v34, v29  }
0x70: {  	s22 =	sadd.s32 $0x80, s22;
	v31 =	vmin.u32 v30, $0x3FFF;
	v30 =	vmin.u32 v36, $0x3FFF;
	v29 =	vmin.u32 v35, $0x3FFF  }
0x71: {  	s25 =	sadd.s32 $0x80, s25;
	vm0 =	vgt.s32 v25, $0xFFFFFFFF;
	v28 =	vmin.u32 v37, $0x3FFF;
	v25 =	vmin.u32 v38, $0x3FFF;
	[tilespmem:s22+$0x30] =	vst v34  }
0x72: {  	_ =	sdelay $0x1  }
0x73: {  	v6 =	vsub.f32 v6, v14  }
0x74: {  	v7 =	vsub.f32 v7, v17  }
0x75: {  	v8 =	vsub.f32 v8, v19;
	v55 =	vld.idx.msk [tilespmem:v33+s4+$0x0], $0xffff;
	[tilespmem:s23+$0xFFFFFFC0] =	vst v6  }
0x76: {  	v9 =	vsub.f32 v9, v22;
	v56 =	vld.idx.msk [tilespmem:v32+s4+$0x0], $0xffff;
	[tilespmem:s23+$0xFFFFFFD0] =	vst v7  }
0x77: {  	v11 =	vsub.f32 v11, v24;
	v57 =	vld.idx.msk [tilespmem:v31+s4+$0x0], $0xffff;
	[tilespmem:s23+$0xFFFFFFE0] =	vst v8  }
0x78: {  	v12 =	vsub.f32 v12, v26;
	v58 =	vld.idx.msk [tilespmem:v30+s4+$0x0], $0xffff;
	[tilespmem:s23+$0xFFFFFFF0] =	vst v9  }
0x79: {  	vm1 =	vgt.s32 v20, $0xFFFFFFFF;
	v13 =	vnsel vm0, $0x0, v13;
	v10 =	vsub.f32 v10, v27;
	v59 =	vld.idx.msk [tilespmem:v29+s4+$0x0], $0xffff;
	[tilespmem:s23+$0x0] =	vst v11  }
0x7a: {  	vm11 =	vgt.s32 v23, $0xFFFFFFFF;
	v60 =	vld.idx.msk [tilespmem:v28+s4+$0x0], $0xffff;
	v5 =	vnsel vm1, $0x0, v5;
	[tilespmem:s23+$0x10] =	vst v12;
	v6 =	vsub.f32 v13, v55  }
0x7b: {  	vm12 =	vgt.s32 v21, $0xFFFFFFFF;
	v61 =	vld.idx.msk [tilespmem:v25+s4+$0x0], $0xffff;
	v1 =	vnsel vm11, $0x0, v1;
	[tilespmem:s23+$0x20] =	vst v10;
	v5 =	vsub.f32 v5, v56  }
0x7c: {  	vm13 =	vgt.s32 v18, $0xFFFFFFFF;
	v0 =	vnsel vm12, $0x0, v0;
	v1 =	vsub.f32 v1, v57;
	[tilespmem:s22+$0xFFFFFFC0] =	vst v6  }
0x7d: {  	vm14 =	vgt.s32 v16, $0xFFFFFFFF;
	v2 =	vnsel vm13, $0x0, v2;
	v0 =	vsub.f32 v0, v58;
	[tilespmem:s22+$0xFFFFFFD0] =	vst v5  }
0x7e: {  	vm15 =	vgt.s32 v15, $0xFFFFFFFF;
	p1 =	sne.s32 s20, $0x1F;
	v3 =	vnsel vm14, $0x0, v3;
	v2 =	vsub.f32 v2, v59;
	[tilespmem:s22+$0xFFFFFFE0] =	vst v1  }
.Ltmp3:
0x7f: {  	v62 =	vnsel vm15, $0x0, v4;
	v3 =	vsub.f32 v3, v60;
	[tilespmem:s22+$0xFFFFFFF0] =	vst v0;
	(pc) =	sbr.rel @p1 .LBB2_6-.Ltmp3, $4  }
0x80: {  	v63 =	vsub.f32 v62, v61;
	[tilespmem:s22+$0x0] =	vst v2  }
0x81: {  	s21 =	sshrl.u32 s21, $0x3;
	[tilespmem:s22+$0x10] =	vst v3  }
0x82: {  	s31 =	sadd.s32 s6, s21;
	[tilespmem:s22+$0x20] =	vst v63  }
0x83: {  	[hbm4b:s31+s4] =	stream.linear.scatter [tilespmem:s14], [sflag:$0x3], $0x4000, $0x38;
	[tilespmem:$0x14000] =	vst v63  }
.Ltmp4:
0x84: {  	(pc) =	sbr.rel .LBB2_7-.Ltmp4, $4  }
0x85: {  	_ = 	snop  }
0x86: {  	_ =	swait.ge [sflag:s15], $0x4000  }
0x87: {  	[sflag:s15] =	ssyncset.done $0x0  }
0x88: {  	[sflag:s15] =	ssyncadd.s32 $0xFFFFC000  }
.LBB2_6:
0x89: {  	s22 =	sadd.s32 s1, s21  }
.Ltmp5:
0x8a: {  	s22 =	sadd.s32 $0x1000, s22;
	(pc) =	sbr.rel @p0 .LBB2_8-.Ltmp5, $4  }
0x8b: {  	[tilespmem:s11], [sflag:$0x1] =	stream.linear.gather [hbm4b:s22+s4], $0x4000, $0x38;
	[tilespmem:$0x14000] =	vst v63  }
0x8c: {  	_ =	swait.ge [sflag:s15], $0x4000  }
0x8d: {  	[sflag:s15] =	ssyncset.done $0x0  }
0x8e: {  	[sflag:s15] =	ssyncadd.s32 $0xFFFFC000  }
.LBB2_7:
0x8f: {  	_ =	swait.ge [sflag:s16], $0x4000  }
0x90: {  	[sflag:s16] =	ssyncset.done $0x0  }
0x91: {  	[sflag:s16] =	ssyncadd.s32 $0xFFFFC000  }
.LBB2_8:
0x92: {  	s22 =	simm.s32 $0x8040  }
0x93: {  	v0 =	vld [tilespmem:s22+$0x30]  }
0x94: {  	v3 =	vld [tilespmem:s22+$0xFFFFFFD0]  }
0x95: {  	v4 =	vld [tilespmem:s22+$0xFFFFFFE0]  }
0x96: {  	v9 =	vld [tilespmem:s22+$0xFFFFFFF0]  }
0x97: {  	v10 =	vld [tilespmem:s22+$0x0]  }
0x98: {  	v12 =	vld [tilespmem:s22+$0x10]  }
0x99: {  	v14 =	vld [tilespmem:s22+$0x20]  }
0x9a: {  	v6 =	vld [tilespmem:s22+$0xFFFFFFC0]  }
0x9b: {  	v1 =	vmul.f32 $6.553600000e+04, v0;
	v2 =	vmul.f32 $6.553600000e+04, v3  }
0x9c: {  	v5 =	vmul.f32 $6.553600000e+04, v4;
	v7 =	vmul.f32 $6.553600000e+04, v9  }
0x9d: {  	v8 =	vmul.f32 $6.553600000e+04, v10;
	v11 =	vmul.f32 $6.553600000e+04, v12;
	v1 =	vadd.f32 $1.258291200e+07, v1  }
0x9e: {  	v15 =	vmul.f32 $6.553600000e+04, v14;
	v2 =	vadd.f32 $1.258291200e+07, v2;
	v5 =	vadd.f32 $1.258291200e+07, v5  }
0x9f: {  	v17 =	vmul.f32 $6.553600000e+04, v6;
	v7 =	vadd.f32 $1.258291200e+07, v7;
	v8 =	vadd.f32 $1.258291200e+07, v8  }
0xa0: {  	v11 =	vadd.f32 $1.258291200e+07, v11;
	v15 =	vadd.f32 $1.258291200e+07, v15;
	v1 =	vadd.s32 $0xB4C00000, v1  }
0xa1: {  	v2 =	vadd.s32 $0xB4C00000, v2;
	v7 =	vadd.s32 $0xB4C00000, v7;
	v8 =	vadd.s32 $0xB4C00000, v8  }
0xa2: {  	v11 =	vadd.s32 $0xB4C00000, v11;
	v15 =	vadd.s32 $0xB4C00000, v15;
	v13 =	vshra.s32 v1, $0x4  }
0xa3: {  	v20 =	vshra.s32 v7, $0x4;
	v21 =	vshra.s32 v8, $0x4;
	v23 =	vshra.s32 v11, $0x4  }
0xa4: {  	v24 =	vshra.s32 v15, $0x4;
	vm0 =	vgt.s32 v1, $0xFFFFFFFF;
	vm1 =	vgt.s32 v2, $0xFFFFFFFF  }
0xa5: {  	vm3 =	vgt.s32 v7, $0xFFFFFFFF;
	vm4 =	vgt.s32 v8, $0xFFFFFFFF;
	vm5 =	vgt.s32 v11, $0xFFFFFFFF  }
0xa6: {  	vm6 =	vgt.s32 v15, $0xFFFFFFFF;
	v16 =	vsub.s32 $0x0, v13;
	v27 =	vsub.s32 $0x0, v20  }
0xa7: {  	v28 =	vsub.s32 $0x0, v21;
	v29 =	vsub.s32 $0x0, v23;
	v30 =	vsub.s32 $0x0, v24  }
0xa8: {  	v0 =	vnsel vm0, $0x0, v0;
	v7 =	vnsel vm1, $0x0, v3;
	v9 =	vnsel vm3, $0x0, v9  }
0xa9: {  	v11 =	vnsel vm4, $0x0, v10;
	v12 =	vnsel vm5, $0x0, v12;
	v10 =	vnsel vm6, $0x0, v14  }
0xaa: {  	v13 =	vmin.u32 v13, v16;
	v16 =	vadd.f32 $1.258291200e+07, v17;
	v17 =	vadd.s32 $0xB4C00000, v5  }
0xab: {  	s31 =	simm.s32 $0x80C0;
	v20 =	vmin.u32 v20, v27;
	v21 =	vmin.u32 v21, v28;
	v13 =	vmin.u32 v13, $0x3FFF  }
0xac: {  	v1 =	vmin.u32 v23, v29;
	v27 =	vld [tilespmem:s31+$0x30];
	v18 =	vshra.s32 v17, $0x4;
	v28 =	vmin.u32 v20, $0x3FFF  }
0xad: {  	vm2 =	vgt.s32 v17, $0xFFFFFFFF;
	v5 =	vadd.s32 $0xB4C00000, v16;
	v16 =	vshra.s32 v2, $0x4;
	v2 =	vld [tilespmem:s31+$0x0]  }
0xae: {  	v29 =	vmin.u32 v21, $0x3FFF;
	v8 =	vnsel vm2, $0x0, v4;
	v4 =	vld [tilespmem:s31+$0x20];
	v19 =	vshra.s32 v5, $0x4  }
0xaf: {  	v26 =	vsub.s32 $0x0, v18;
	vm0 =	vgt.s32 v5, $0xFFFFFFFF;
	v5 =	vld [tilespmem:s31+$0xFFFFFFD0];
	v22 =	vsub.s32 $0x0, v19  }
0xb0: {  	v25 =	vsub.s32 $0x0, v16;
	v18 =	vmin.u32 v18, v26;
	v19 =	vmin.u32 v19, v22;
	v13 =	vld.idx.msk [tilespmem:v13+s4+$0x0], $0xffff  }
0xb1: {  	v22 =	vmin.u32 v24, v30;
	v30 =	vmin.u32 v1, $0x3FFF;
	v1 =	vld [tilespmem:s31+$0xFFFFFFE0];
	v15 =	vmul.f32 $6.553600000e+04, v27  }
0xb2: {  	v16 =	vmin.u32 v16, v25;
	v26 =	vmin.u32 v18, $0x3FFF;
	v6 =	vnsel vm0, $0x0, v6  }
0xb3: {  	v24 =	vmin.u32 v16, $0x3FFF;
	v19 =	vmin.u32 v19, $0x3FFF;
	v15 =	vadd.f32 $1.258291200e+07, v15  }
0xb4: {  	v34 =	vmin.u32 v22, $0x3FFF;
	v18 =	vmul.f32 $6.553600000e+04, v2;
	v21 =	vmul.f32 $6.553600000e+04, v4  }
0xb5: {  	v16 =	vmul.f32 $6.553600000e+04, v5;
	v22 =	vadd.s32 $0xB4C00000, v15;
	v25 =	vsub.f32 v0, v13;
	v0 =	vld [tilespmem:s31+$0xFFFFFFF0]  }
0xb6: {  	v18 =	vadd.f32 $1.258291200e+07, v18;
	v17 =	vmul.f32 $6.553600000e+04, v1;
	v20 =	vshra.s32 v22, $0x4;
	v13 =	vld [tilespmem:s31+$0xFFFFFFC0]  }
0xb7: {  	v3 =	vld [tilespmem:s31+$0x10];
	v14 =	vadd.f32 $1.258291200e+07, v16;
	vm0 =	vgt.s32 v22, $0xFFFFFFFF;
	v23 =	vsub.s32 $0x0, v20  }
0xb8: {  	v18 =	vadd.s32 $0xB4C00000, v18;
	v27 =	vnsel vm0, $0x0, v27;
	v17 =	vadd.f32 $1.258291200e+07, v17  }
0xb9: {  	v23 =	vmin.u32 v20, v23;
	v20 =	vadd.s32 $0xB4C00000, v14;
	v14 =	vadd.f32 $1.258291200e+07, v21  }
0xba: {  	v37 =	vshra.s32 v18, $0x4;
	v32 =	vmin.u32 v23, $0x3FFF;
	v16 =	vmul.f32 $6.553600000e+04, v0  }
0xbb: {  	v44 =	vsub.s32 $0x0, v37;
	v23 =	vadd.s32 $0xB4C00000, v17;
	v31 =	vmul.f32 $6.553600000e+04, v13  }
0xbc: {  	v33 =	vshra.s32 v23, $0x4;
	v15 =	vadd.f32 $1.258291200e+07, v16;
	v16 =	vmul.f32 $6.553600000e+04, v3  }
0xbd: {  	v61 =	vmin.u32 v37, v44;
	v42 =	vsub.s32 $0x0, v33;
	v31 =	vadd.f32 $1.258291200e+07, v31  }
0xbe: {  	v42 =	vmin.u32 v33, v42;
	v16 =	vadd.f32 $1.258291200e+07, v16;
	v21 =	vadd.s32 $0xB4C00000, v15  }
0xbf: {  	v41 =	vld.idx.msk [tilespmem:v32+s4+$0x0], $0xffff;
	v15 =	vadd.s32 $0xB4C00000, v14;
	v35 =	vadd.s32 $0xB4C00000, v31;
	v31 =	vshra.s32 v20, $0x4  }
0xc0: {  	v17 =	vshra.s32 v35, $0x4;
	v36 =	vshra.s32 v21, $0x4;
	v40 =	vshra.s32 v15, $0x4  }
0xc1: {  	v22 =	vld.idx.msk [tilespmem:v28+s4+$0x0], $0xffff;
	v60 =	vsub.s32 $0x0, v31;
	vm0 =	vgt.s32 v35, $0xFFFFFFFF;
	v16 =	vadd.s32 $0xB4C00000, v16  }
0xc2: {  	v14 =	vld.idx.msk [tilespmem:v19+s4+$0x0], $0xffff;
	v38 =	vsub.s32 $0x0, v17;
	v43 =	vsub.s32 $0x0, v36;
	v31 =	vmin.u32 v31, v60  }
0xc3: {  	v39 =	vshra.s32 v16, $0x4;
	v38 =	vmin.u32 v17, v38;
	v17 =	vld.idx.msk [tilespmem:v24+s4+$0x0], $0xffff;
	v24 =	vsub.s32 $0x0, v40  }
0xc4: {  	v19 =	vld.idx.msk [tilespmem:v26+s4+$0x0], $0xffff;
	v26 =	vmin.u32 v36, v43;
	v32 =	vmin.u32 v31, $0x3FFF;
	v63 =	vsub.f32 v27, v41  }
0xc5: {  	s23 =	simm.s32 $0x10040;
	v27 =	vld.idx.msk [tilespmem:v30+s4+$0x0], $0xffff;
	v31 =	vmin.u32 v42, $0x3FFF;
	v45 =	vsub.s32 $0x0, v39;
	v62 =	vmin.u32 v40, v24  }
0xc6: {  	s22 =	simm.s32 $0x100C0;
	[tilespmem:s23+$0x30] =	vst v25;
	v24 =	vld.idx.msk [tilespmem:v29+s4+$0x0], $0xffff;
	v33 =	vmin.u32 v38, $0x3FFF;
	v30 =	vmin.u32 v26, $0x3FFF;
	v28 =	vmin.u32 v39, v45  }
0xc7: {  	s24 =	simm.s32 $0x8;
	s25 =	simm.s32 $0x8140;
	v29 =	vmin.u32 v61, $0x3FFF;
	v26 =	vld.idx.msk [tilespmem:v34+s4+$0x0], $0xffff;
	v25 =	vmin.u32 v62, $0x3FFF;
	[tilespmem:s22+$0x30] =	vst v63;
	v28 =	vmin.u32 v28, $0x3FFF  }
.LBB2_9:
0xc8: {  	v34 =	vld [tilespmem:s25+$0x30];
	s24 =	sadd.s32 $0x8, s24;
	vm1 =	vgt.s32 v20, $0xFFFFFFFF;
	vm2 =	vgt.s32 v23, $0xFFFFFFFF;
	vm3 =	vgt.s32 v21, $0xFFFFFFFF  }
0xc9: {  	vm4 =	vgt.s32 v18, $0xFFFFFFFF;
	vm5 =	vgt.s32 v16, $0xFFFFFFFF;
	vm6 =	vgt.s32 v15, $0xFFFFFFFF;
	v20 =	vld [tilespmem:s25+$0xFFFFFFD0];
	p0 =	slt.u32 s24, $0x3F8  }
0xca: {  	v13 =	vnsel vm0, $0x0, v13;
	v5 =	vnsel vm1, $0x0, v5;
	v15 =	vnsel vm2, $0x0, v1;
	v1 =	vld [tilespmem:s25+$0xFFFFFFE0]  }
0xcb: {  	v16 =	vnsel vm3, $0x0, v0;
	v18 =	vnsel vm4, $0x0, v2;
	v21 =	vnsel vm5, $0x0, v3;
	v0 =	vld [tilespmem:s25+$0xFFFFFFF0]  }
0xcc: {  	v14 =	vsub.f32 v6, v14;
	v17 =	vsub.f32 v7, v17;
	v23 =	vnsel vm6, $0x0, v4;
	v6 =	vmovc v13;
	v7 =	vmovc v5;
	v2 =	vld [tilespmem:s25+$0x0]  }
0xcd: {  	v19 =	vsub.f32 v8, v19;
	v22 =	vsub.f32 v9, v22;
	v8 =	vmovc v15;
	v9 =	vmovc v16;
	v3 =	vld [tilespmem:s25+$0x10];
	v35 =	vmul.f32 $6.553600000e+04, v34  }
0xce: {  	v16 =	vsub.f32 v11, v24;
	v24 =	vsub.f32 v12, v27;
	v15 =	vmul.f32 $6.553600000e+04, v20;
	v4 =	vld [tilespmem:s25+$0x20];
	[tilespmem:s23+$0xFFFFFFC0] =	vst v14;
	v5 =	vmovc v20  }
0xcf: {  	v26 =	vsub.f32 v10, v26;
	v11 =	vmovc v18;
	v12 =	vmovc v21;
	v13 =	vld [tilespmem:s25+$0xFFFFFFC0];
	v20 =	vmul.f32 $6.553600000e+04, v1;
	v27 =	vadd.f32 $1.258291200e+07, v35;
	[tilespmem:s23+$0xFFFFFFD0] =	vst v17  }
0xd0: {  	v10 =	vmov v23;
	v15 =	vadd.f32 $1.258291200e+07, v15;
	v18 =	vmul.f32 $6.553600000e+04, v0;
	v14 =	vld.idx.msk [tilespmem:v33+s4+$0x0], $0xffff;
	[tilespmem:s23+$0xFFFFFFE0] =	vst v19  }
0xd1: {  	v21 =	vadd.f32 $1.258291200e+07, v20;
	v20 =	vmul.f32 $6.553600000e+04, v2;
	v33 =	vadd.s32 $0xB4C00000, v27;
	v17 =	vld.idx.msk [tilespmem:v32+s4+$0x0], $0xffff;
	[tilespmem:s23+$0xFFFFFFF0] =	vst v22  }
0xd2: {  	v18 =	vadd.f32 $1.258291200e+07, v18;
	v23 =	vmul.f32 $6.553600000e+04, v3;
	v27 =	vshra.s32 v33, $0x4;
	v19 =	vld.idx.msk [tilespmem:v31+s4+$0x0], $0xffff;
	[tilespmem:s23+$0x0] =	vst v16  }
0xd3: {  	v16 =	vadd.f32 $1.258291200e+07, v20;
	v31 =	vmul.f32 $6.553600000e+04, v4;
	v20 =	vsub.s32 $0x0, v27;
	v22 =	vld.idx.msk [tilespmem:v30+s4+$0x0], $0xffff;
	[tilespmem:s23+$0x10] =	vst v24  }
0xd4: {  	v30 =	vmul.f32 $6.553600000e+04, v13;
	v32 =	vadd.f32 $1.258291200e+07, v23;
	v23 =	vmin.u32 v27, v20;
	v24 =	vld.idx.msk [tilespmem:v29+s4+$0x0], $0xffff;
	[tilespmem:s23+$0x20] =	vst v26;
	s23 =	smov.u32 s22  }
0xd5: {  	v20 =	vadd.s32 $0xB4C00000, v15;
	v15 =	vadd.f32 $1.258291200e+07, v31;
	v29 =	vmin.u32 v23, $0x3FFF;
	v27 =	vld.idx.msk [tilespmem:v28+s4+$0x0], $0xffff  }
0xd6: {  	v23 =	vadd.s32 $0xB4C00000, v21;
	v21 =	vadd.s32 $0xB4C00000, v18;
	v28 =	vadd.f32 $1.258291200e+07, v30;
	v26 =	vld.idx.msk [tilespmem:v25+s4+$0x0], $0xffff  }
0xd7: {  	v18 =	vadd.s32 $0xB4C00000, v16;
	v16 =	vadd.s32 $0xB4C00000, v32;
	v15 =	vadd.s32 $0xB4C00000, v15  }
0xd8: {  	v30 =	vshra.s32 v23, $0x4;
	v25 =	vadd.s32 $0xB4C00000, v28;
	v28 =	vshra.s32 v20, $0x4  }
0xd9: {  	v32 =	vshra.s32 v21, $0x4;
	v35 =	vshra.s32 v18, $0x4;
	v31 =	vshra.s32 v25, $0x4  }
0xda: {  	v37 =	vshra.s32 v16, $0x4;
	v38 =	vshra.s32 v15, $0x4;
	v36 =	vsub.s32 $0x0, v31;
	v29 =	vld.idx.msk [tilespmem:v29+s4+$0x0], $0xffff  }
0xdb: {  	v40 =	vsub.s32 $0x0, v30;
	v41 =	vsub.s32 $0x0, v32;
	v39 =	vsub.s32 $0x0, v28  }
0xdc: {  	v42 =	vsub.s32 $0x0, v35;
	v43 =	vsub.s32 $0x0, v37;
	v44 =	vsub.s32 $0x0, v38  }
0xdd: {  	v30 =	vmin.u32 v30, v40;
	v28 =	vmin.u32 v28, v39;
	v31 =	vmin.u32 v31, v36  }
.Ltmp6:
0xde: {  	vm0 =	vgt.s32 v33, $0xFFFFFFFF;
	v35 =	vmin.u32 v35, v42;
	v36 =	vmin.u32 v32, v41;
	(pc) =	sbr.rel @p0 .LBB2_9-.Ltmp6, $4  }
0xdf: {  	v34 =	vnsel vm0, $0x0, v34;
	v37 =	vmin.u32 v37, v43;
	v38 =	vmin.u32 v38, v44  }
0xe0: {  	v32 =	vmin.u32 v28, $0x3FFF;
	v33 =	vmin.u32 v31, $0x3FFF;
	v34 =	vsub.f32 v34, v29  }
0xe1: {  	s22 =	sadd.s32 $0x80, s22;
	v31 =	vmin.u32 v30, $0x3FFF;
	v30 =	vmin.u32 v36, $0x3FFF;
	v29 =	vmin.u32 v35, $0x3FFF  }
0xe2: {  	s25 =	sadd.s32 $0x80, s25;
	vm0 =	vgt.s32 v25, $0xFFFFFFFF;
	v28 =	vmin.u32 v37, $0x3FFF;
	v25 =	vmin.u32 v38, $0x3FFF;
	[tilespmem:s22+$0x30] =	vst v34  }
0xe3: {  	_ =	sdelay $0x1  }
0xe4: {  	v6 =	vsub.f32 v6, v14  }
0xe5: {  	v7 =	vsub.f32 v7, v17  }
0xe6: {  	v8 =	vsub.f32 v8, v19;
	v55 =	vld.idx.msk [tilespmem:v33+s4+$0x0], $0xffff;
	[tilespmem:s23+$0xFFFFFFC0] =	vst v6  }
0xe7: {  	v9 =	vsub.f32 v9, v22;
	v56 =	vld.idx.msk [tilespmem:v32+s4+$0x0], $0xffff;
	[tilespmem:s23+$0xFFFFFFD0] =	vst v7  }
0xe8: {  	v11 =	vsub.f32 v11, v24;
	v57 =	vld.idx.msk [tilespmem:v31+s4+$0x0], $0xffff;
	[tilespmem:s23+$0xFFFFFFE0] =	vst v8  }
0xe9: {  	v12 =	vsub.f32 v12, v27;
	v58 =	vld.idx.msk [tilespmem:v30+s4+$0x0], $0xffff;
	[tilespmem:s23+$0xFFFFFFF0] =	vst v9  }
0xea: {  	vm1 =	vgt.s32 v20, $0xFFFFFFFF;
	v13 =	vnsel vm0, $0x0, v13;
	v10 =	vsub.f32 v10, v26;
	v59 =	vld.idx.msk [tilespmem:v29+s4+$0x0], $0xffff;
	[tilespmem:s23+$0x0] =	vst v11  }
0xeb: {  	vm11 =	vgt.s32 v23, $0xFFFFFFFF;
	v60 =	vld.idx.msk [tilespmem:v28+s4+$0x0], $0xffff;
	v5 =	vnsel vm1, $0x0, v5;
	[tilespmem:s23+$0x10] =	vst v12;
	v6 =	vsub.f32 v13, v55  }
0xec: {  	vm12 =	vgt.s32 v21, $0xFFFFFFFF;
	v61 =	vld.idx.msk [tilespmem:v25+s4+$0x0], $0xffff;
	v1 =	vnsel vm11, $0x0, v1;
	[tilespmem:s23+$0x20] =	vst v10;
	v5 =	vsub.f32 v5, v56  }
0xed: {  	vm13 =	vgt.s32 v18, $0xFFFFFFFF;
	v0 =	vnsel vm12, $0x0, v0;
	v1 =	vsub.f32 v1, v57;
	[tilespmem:s22+$0xFFFFFFC0] =	vst v6  }
0xee: {  	vm14 =	vgt.s32 v16, $0xFFFFFFFF;
	v2 =	vnsel vm13, $0x0, v2;
	v0 =	vsub.f32 v0, v58;
	[tilespmem:s22+$0xFFFFFFD0] =	vst v5  }
0xef: {  	vm15 =	vgt.s32 v15, $0xFFFFFFFF;
	p0 =	seq.s32 s20, $0x1F;
	v3 =	vnsel vm14, $0x0, v3;
	v2 =	vsub.f32 v2, v59;
	[tilespmem:s22+$0xFFFFFFE0] =	vst v1  }
.Ltmp7:
0xf0: {  	v62 =	vnsel vm15, $0x0, v4;
	v3 =	vsub.f32 v3, v60;
	[tilespmem:s22+$0xFFFFFFF0] =	vst v0;
	(pc) =	sbr.rel @p0 .LBB2_12-.Ltmp7, $4  }
0xf1: {  	v63 =	vsub.f32 v62, v61;
	[tilespmem:s22+$0x0] =	vst v2  }
0xf2: {  	s30 =	sadd.s32 s21, s6;
	[tilespmem:s22+$0x10] =	vst v3  }
0xf3: {  	s31 =	sadd.s32 $0x800, s30;
	[tilespmem:s22+$0x20] =	vst v63  }
0xf4: {  	[hbm4b:s31+s4] =	stream.linear.scatter [tilespmem:s17], [sflag:$0x4], $0x4000, $0x38;
	[tilespmem:$0x14000] =	vst v63  }
.Ltmp8:
0xf5: {  	(pc) =	sbr.rel .LBB2_2-.Ltmp8, $4  }
0xf6: {  	_ = 	snop  }
0xf7: {  	s21 =	sadd.s32 s1, s21  }
0xf8: {  	s20 =	sadd.s32 $0x1, s20;
	s21 =	sadd.s32 $0x1800, s21  }
0xf9: {  	[tilespmem:s12], [sflag:$0x2] =	stream.linear.gather [hbm4b:s21+s4], $0x4000, $0x38;
	[tilespmem:$0x14000] =	vst v63  }
.LBB2_13:
0xfa: {  	_ =	sfence.sel $0x180000  }
0xfb: {  	[bflag:$0x0] =	sbarrier.arrive $0xFFFF  }
0xfc: {  	p0 =	sne.s32 s2, $0x0;
	_ =	strace $0x9000004A  }
0xfd: {  	s0 =	sadd.s32 @!p0 $0x100000, s0;
	[bflag:$0x2] =	sbarrier.arrive $0xFFFF  }
0xfe: {  	[sflag:s0] =	ssyncadd.tile.s32 @!p0 $0x1;
	_ =	shalt  }
.Lfunc_end2:
_tile_overlayer_lowered:
.L_overlay_start_2:
0xff: {  	(tag) =	ssettag $0x2  }
0x100: {  	s0 =	rddreg [dreg:$0x0];
	s2 =	stileid.u32  }
0x101: {  	s1 =	rddreg [dreg:$0x1];
	p0 =	sne.s32 s2, $0x0  }
0x102: {  	s3 =	rddreg [dreg:$0x2];
	[bflag:$0x3] =	sbarrier.arrive $0xFFFF;
	s2 =	simm.s32 @!p0 $0x1C05  }
0x103: {  	[timem:s3], [sflag:s2] =	dma.local @!p0 [hbm:s0], s1  }
0x104: {  	s0 =	simm.s32 @!p0 $0x5  }
0x105: {  	_ =	swait.ge @!p0 [sflag:s0], s1  }
0x106: {  	s1 =	ssub.s32 @!p0 $0x0, s1;
	[sflag:s0] =	ssyncset.done @!p0 $0x0  }
0x107: {  	[sflag:s0] =	ssyncadd.s32 @!p0 s1  }
0x108: {  	[bflag:$0x3] =	sbarrier.arrive $0xFFFF  }
0x109: {  	_ =	shalt  }

// kernel: sparse-core-data-format-call.cloned.1.call-start
scs
called_computation_lowered:
.L_overlay_start_0:
0x0: {  	s2 =	sld [smem:$0x3FD9]  }
0x1: {  	s3 =	sld [smem:$0x3FFE];
	_ =	sdelay $0x1  }
0x2: {  	s1 =	srdreg.scid  }
0x3: {  	s0 =	sand.u32 $0x1, s1  }
0x4: {  	s19 =	sshll.u32 s0, $0xA;
	s2 =	sadd.s32 s3, s2  }
0x5: {  	s2 =	sadd.s32 s2, s19  }
0x6: {  	[smem:$0x3FC6] =	sst s2  }
0x7: {  	_ = 	snop  }
0x8: {  	s2 =	sld [smem:$0x3FC9]  }
0x9: {  	s20 =	sld [smem:$0x3FD0];
	(tm) =	ssettm $0x1  }
0xa: {  	s4 =	sld [smem:$0x3FFB];
	_ =	sdelay $0x3  }
0xb: {  	_ =	strace s4  }
0xc: {  	s4 =	sld [smem:$0x3FFC];
	_ =	sdelay $0x3  }
0xd: {  	_ =	strace s4  }
0xe: {  	s4 =	sld [smem:$0x3FFD];
	_ =	sdelay $0x3  }
0xf: {  	_ =	strace s4  }
0x10: {  	_ =	strace $0x8FFFFFFF  }
0x11: {  	s21 =	sld [smem:$0x3FDB];
	_ =	sdelay $0x1  }
0x12: {  	s5 =	simm.s32 $_scs_section_size  }
0x13: {  	s6 =	simm.s32 $_size__tile_overlayer_lowered;
	s7 =	simm.s32 $_tile_overlayer_lowered  }
0x14: {  	s24 =	simm.s32 $0x1BFF;
	s23 =	sshll.u32 s7, $0x1;
	s4 =	sadd.s32 s5, s21  }
0x15: {  	s8 =	simm.s32 $0x0;
	s22 =	sshll.u32 s6, $0x1;
	s6 =	sadd.s32 s23, s4  }
0x16: {  	[timem:s8], [sflag:s24] =	dma.local [hbm:s6], s22  }
0x17: {  	_ =	swait.ge [sflag:s24], s22  }
0x18: {  	s5 =	ssub.s32 $0x0, s22;
	[sflag:s24] =	ssyncset.done $0x0  }
0x19: {  	[sflag:s24] =	ssyncadd.s32 s5;
	_ =	sdelay $0x1  }
0x1a: {  	s25 =	simm.s32 $0x1B8B  }
0x1b: {  	_ =	swait.ge [sflag:s25], $0x1  }
0x1c: {  	[sflag:s25] =	ssyncset.done $0x0  }
0x1d: {  	s26 =	simm.s32 $0x1B8E;
	[sflag:s25] =	ssyncadd.s32 $0xFFFFFFFF  }
0x1e: {  	s27 =	simm.s32 $execute0_lowered;
	[smem:$0x3FD2] =	sst s26  }
0x1f: {  	s5 =	sshll.u32 s27, $0x1;
	_ =	strace $0x80000046;
	[dreg:$0x1] =	wrdreg $0xFFFFFFFF  }
0x20: {  	s28 =	simm.s32 $_size_execute0_lowered;
	s4 =	sadd.s32 s4, s5;
	[dreg:$0x0] =	wrdreg $0x0  }
0x21: {  	s5 =	sshll.u32 s28, $0x1;
	[dreg:$0x2] =	wrdreg s4  }
0x22: {  	[dreg:$0x3] =	wrdreg s5  }
0x23: {  	[dreg:$0x4] =	wrdreg $0xC0  }
0x24: {  	_ =	task [dreg:s8], $0x5FFFF  }
0x25: {  	[dreg:$0x1] =	wrdreg $0xFFFFFFFF  }
0x26: {  	[dreg:$0x0] =	wrdreg $0x60  }
0x27: {  	[dreg:$0x2] =	wrdreg s2  }
0x28: {  	[dreg:$0x3] =	wrdreg s20  }
0x29: {  	[dreg:$0x4] =	wrdreg $0x9  }
0x2a: {  	_ =	task.clear_ibuf [dreg:s8], $0x5FFFF;
	_ =	strace $0x90000046  }
0x2b: {  	s29 =	simm.s32 $0x9;
	_ =	strace $0x80000048  }
0x2c: {  	_ =	swait.ge [sflag:s29], $0x1  }
0x2d: {  	[sflag:s29] =	ssyncadd.s32 $0xFFFFFFFF  }
0x2e: {  	_ =	strace $0x90000048  }
0x2f: {  	_ =	sfence  }
0x30: {  	s30 =	sld [smem:$0x0];
	_ =	sdelay $0x2  }
0x31: {  	s31 =	sshll.u32 s1, $0xD;
	s1 =	sshrl.u32 s1, $0x2  }
0x32: {  	s3 =	sand.u32 $0x4000, s31;
	s1 =	sadd.s32 s1, s30  }
0x33: {  	s0 =	sor.u32 s3, s0;
	s1 =	sshll.u32 s1, $0x11  }
0x34: {  	s0 =	sor.u32 s1, s0  }
0x35: {  	s0 =	sadd.s32 $0x8F2B, s0  }
0x36: {  	[sflag:s0] =	ssyncadd.remote.s32 $0x1  }
0x37: {  	_ =	sfence.sel $0xFFFF  }
0x38: {  	[dreg:$0x0] =	wrdreg $0xFFFFFFFF;
	(pc) =	sbr.abs _section_cstart, $3  }
0x39: {  	[dreg:$0x1] =	wrdreg $0xFFFFFFFF  }
0x3a: {  	_ =	task.clear_ibuf [dreg:s8], $0x2FFFF;
	_ =	strace $0x9FFFFFFF  }
0x3b: {  	(tm) =	ssettm $0x7FFFFFFF  }
tec
execute0_lowered:
.L_overlay_start_1:
0x0: {  	(tag) =	ssettag $0x1  }
0x1: {  	s2 =	rddreg [dreg:$0x0]  }
0x2: {  	s3 =	rddreg [dreg:$0x1]  }
0x3: {  	s0 =	rddreg [dreg:$0x2];
	s4 =	srdreg.scid  }
.Ltmp0:
0x4: {  	_ =	strace $0x80000047;
	s1 =	stileid.u32;
	(pc) =	sbr.rel .LBB1_1-.Ltmp0, $4  }
0x5: {  	s6 =	simm.s32 $0x2;
	p0 =	por $0x0, $0x0;
	s5 =	sshll.u32 s4, $0x4  }
0x6: {  	s9 =	simm.s32 $0x0;
	s4 =	simm.s32 $0x1;
	s5 =	sand.u32 $0x10, s5  }
0x7: {  	s7 =	simm.s32 $0x0;
	[sflag:s4] =	ssyncpa.u1 $0x0;
	s5 =	sor.u32 s1, s5  }
0x8: {  	[sflag:s6] =	ssyncpa.u1 $0x0;
	s6 =	simm.s32 $0x0;
	s8 =	smov.u32 s5  }
.LBB1_7:
0x9: {  	s11 =	sadd.s32 $0x20, s8  }
0xa: {  	p1 =	slt.u32 s7, $0x2;
	s7 =	sadd.s32 $0x1, s7;
	p2 =	sgt.s32 s11, $0x7FF  }
0xb: {  	s11 =	smov.u32 @p2 s5;
	p2 =	sne.s32 s7, $0x42  }
.Ltmp1:
0xc: {  	_ = 	snop;
	(pc) =	sbr.rel @!p2 .LBB1_8-.Ltmp1, $4  }
0xd: {  	s10 =	simm.s32 @!p1 $0x2  }
0xe: {  	_ =	swait.ge @!p1 [sflag:s10], $0x4000  }
0xf: {  	s9 =	smov.u32 s8;
	[sflag:s10] =	ssyncset.done @!p1 $0x0  }
0x10: {  	p0 =	por !p0, !p0;
	s8 =	smov.u32 s11;
	[sflag:s10] =	ssyncadd.s32 @!p1 $0xFFFFC000  }
.LBB1_1:
0x11: {  	p1 =	sgt.u32 s7, $0x3F  }
0x12: {  	s10 =	sxor.u32 @!p1 $0xFFFFFFFF, s7  }
0x13: {  	s11 =	sshll.u32 @!p1 s8, $0xB;
	s10 =	sshll.u32 @!p1 s10, $0xE  }
0x14: {  	s12 =	simm.s32 @!p1 $0x0;
	s11 =	sadd.s32 @!p1 s2, s11;
	s10 =	sand.u32 @!p1 $0x4000, s10  }
0x15: {  	[tilespmem:s10], [sflag:$0x1] =	stream.linear.gather @!p1 [hbm4b:s11+s12], $0x4000, $0x38;
	[tilespmem:$0x10000] =	vst v63  }
0x16: {  	p1 =	seq.s32 s7, $0x0  }
0x17: {  	p2 =	seq.s32 @!p1 s7, $0x41  }
0x18: {  	p1 =	por p1, p2  }
.Ltmp2:
0x19: {  	_ = 	snop;
	(pc) =	sbr.rel @p1 .LBB1_7-.Ltmp2, $1  }
0x1a: {  	_ =	sdelay $0x3  }
0x1b: {  	s10 =	simm.s32 $0x1;
	_ =	swait.ge [sflag:s4], $0x4000;
	s12 =	sshll.u32 s7, $0xE  }
0x1c: {  	s13 =	simm.s32 $0x0;
	s10 =	simm.s32 @!p0 $0x0;
	[sflag:s4] =	ssyncset.done $0x0  }
0x1d: {  	s12 =	sand.u32 $0x4000, s12;
	s11 =	sshll.u32 s10, $0xE;
	[sflag:s4] =	ssyncadd.s32 $0xFFFFC000  }
0x1e: {  	s12 =	sor.u32 $0x8000, s12;
	s10 =	sor.u32 $0x8040, s11;
	s11 =	sor.u32 $0x40, s11  }
.LBB1_3:
0x1f: {  	v0 =	vmov s11;
	_ =	sdelay $0x3  }
0x20: {  	s15 =	simm.s32 $0x0  }
0x21: {  	v6 =	vld.idx.msk [tilespmem:v0+s15+$0x30 ss:$0x1], $0xffff  }
0x22: {  	v7 =	vld.idx.msk [tilespmem:v0+s15+$0xFFFFFFC0 ss:$0x1], $0xffff  }
0x23: {  	v5 =	vld.idx.msk [tilespmem:v0+s15+$0xFFFFFFD0 ss:$0x1], $0xffff  }
0x24: {  	v4 =	vld.idx.msk [tilespmem:v0+s15+$0xFFFFFFE0 ss:$0x1], $0xffff  }
0x25: {  	v3 =	vld.idx.msk [tilespmem:v0+s15+$0xFFFFFFF0 ss:$0x1], $0xffff  }
0x26: {  	v1 =	vld.idx.msk [tilespmem:v0+s15+$0x0 ss:$0x1], $0xffff  }
0x27: {  	v2 =	vld.idx.msk [tilespmem:v0+s15+$0x10 ss:$0x1], $0xffff;
	[tilespmem:s10+$0x30] =	vst v6  }
0x28: {  	s14 =	simm.s32 $0x80;
	s16 =	simm.s32 $0x400;
	[tilespmem:s10+$0xFFFFFFC0] =	vst v7;
	v6 =	vld.idx.msk [tilespmem:v0+s15+$0x20 ss:$0x1], $0xffff;
	s15 =	smov.u32 s10  }
.LBB1_4:
0x29: {  	p1 =	sne.s32 s16, $0xE00;
	v7 =	vld.idx.msk [tilespmem:v0+s14+$0x30 ss:$0x1], $0xffff;
	[tilespmem:s15+$0xFFFFFFD0] =	vst v5  }
0x2a: {  	v8 =	vld.idx.msk [tilespmem:v0+s14+$0xFFFFFFC0 ss:$0x1], $0xffff;
	[tilespmem:s15+$0xFFFFFFE0] =	vst v4  }
0x2b: {  	v5 =	vld.idx.msk [tilespmem:v0+s14+$0xFFFFFFD0 ss:$0x1], $0xffff;
	[tilespmem:s15+$0xFFFFFFF0] =	vst v3  }
.Ltmp3:
0x2c: {  	v4 =	vld.idx.msk [tilespmem:v0+s14+$0xFFFFFFE0 ss:$0x1], $0xffff;
	[tilespmem:s15+$0x0] =	vst v1;
	(pc) =	sbr.rel @p1 .LBB1_4-.Ltmp3, $4  }
0x2d: {  	v3 =	vld.idx.msk [tilespmem:v0+s14+$0xFFFFFFF0 ss:$0x1], $0xffff;
	[tilespmem:s15+$0x10] =	vst v2  }
0x2e: {  	v1 =	vld.idx.msk [tilespmem:v0+s14+$0x0 ss:$0x1], $0xffff;
	[tilespmem:s15+$0x20] =	vst v6;
	s15 =	sadd.s32 $0x800, s15  }
0x2f: {  	v2 =	vld.idx.msk [tilespmem:v0+s14+$0x10 ss:$0x1], $0xffff;
	[tilespmem:s15+$0x30] =	vst v7  }
0x30: {  	[tilespmem:s15+$0xFFFFFFC0] =	vst v8;
	v6 =	vld.idx.msk [tilespmem:v0+s14+$0x20 ss:$0x1], $0xffff;
	s14 =	sshra.s32 s16, $0x2;
	s16 =	sadd.s32 $0x200, s16  }
0x31: {  	_ =	sdelay $0x2  }
0x32: {  	[tilespmem:s15+$0xFFFFFFD0] =	vst v5  }
0x33: {  	v56 =	vld.idx.msk [tilespmem:v0+s14+$0x30 ss:$0x1], $0xffff;
	[tilespmem:s15+$0xFFFFFFE0] =	vst v4  }
0x34: {  	v57 =	vld.idx.msk [tilespmem:v0+s14+$0xFFFFFFC0 ss:$0x1], $0xffff;
	[tilespmem:s15+$0xFFFFFFF0] =	vst v3  }
0x35: {  	v58 =	vld.idx.msk [tilespmem:v0+s14+$0xFFFFFFD0 ss:$0x1], $0xffff;
	[tilespmem:s15+$0x0] =	vst v1  }
0x36: {  	v59 =	vld.idx.msk [tilespmem:v0+s14+$0xFFFFFFE0 ss:$0x1], $0xffff;
	[tilespmem:s15+$0x10] =	vst v2  }
0x37: {  	v60 =	vld.idx.msk [tilespmem:v0+s14+$0xFFFFFFF0 ss:$0x1], $0xffff;
	s31 =	sadd.s32 $0x800, s15;
	[tilespmem:s15+$0x20] =	vst v6  }
0x38: {  	v61 =	vld.idx.msk [tilespmem:v0+s14+$0x0 ss:$0x1], $0xffff;
	[tilespmem:s31+$0x30] =	vst v56  }
0x39: {  	v62 =	vld.idx.msk [tilespmem:v0+s14+$0x10 ss:$0x1], $0xffff;
	s13 =	sadd.s32 $0x1, s13;
	[tilespmem:s31+$0xFFFFFFC0] =	vst v57  }
0x3a: {  	v63 =	vld.idx.msk [tilespmem:v0+s14+$0x20 ss:$0x1], $0xffff;
	p1 =	sne.s32 s13, $0x10;
	[tilespmem:s31+$0xFFFFFFD0] =	vst v58  }
.Ltmp4:
0x3b: {  	[tilespmem:s31+$0xFFFFFFE0] =	vst v59;
	(pc) =	sbr.rel @p1 .LBB1_3-.Ltmp4, $4  }
0x3c: {  	[tilespmem:s31+$0xFFFFFFF0] =	vst v60  }
0x3d: {  	[tilespmem:s31+$0x0] =	vst v61  }
0x3e: {  	[tilespmem:s31+$0x10] =	vst v62  }
0x3f: {  	s10 =	sadd.s32 $0x80, s10;
	s11 =	sadd.s32 $0x400, s11;
	[tilespmem:s31+$0x20] =	vst v63  }
.Ltmp5:
0x40: {  	(pc) =	sbr.rel .LBB1_7-.Ltmp5, $4  }
0x41: {  	_ = 	snop  }
0x42: {  	s9 =	sshll.u32 s9, $0xB  }
0x43: {  	s9 =	sadd.s32 s3, s9  }
0x44: {  	[hbm4b:s9+s6] =	stream.linear.scatter [tilespmem:s12], [sflag:$0x2], $0x4000, $0x38;
	[tilespmem:$0x10000] =	vst v63  }
.LBB1_8:
0x45: {  	_ =	sfence.sel $0x180000  }
0x46: {  	s2 =	simm.s32 $0x1;
	[bflag:$0x0] =	sbarrier.arrive $0xFFFF  }
0x47: {  	s31 =	simm.s32 $0x2;
	[sflag:s2] =	ssyncpa.u1 $0x1  }
0x48: {  	[sflag:s31] =	ssyncpa.u1 $0x1  }
0x49: {  	p0 =	sne.s32 s1, $0x0;
	_ =	strace $0x90000047  }
0x4a: {  	s0 =	sadd.s32 @!p0 $0x100000, s0;
	[bflag:$0x2] =	sbarrier.arrive $0xFFFF  }
0x4b: {  	[sflag:s0] =	ssyncadd.tile.s32 @!p0 $0x1;
	_ =	shalt  }
.Lfunc_end1:
_tile_overlayer_lowered:
.L_overlay_start_2:
0x4c: {  	(tag) =	ssettag $0x2  }
0x4d: {  	s0 =	rddreg [dreg:$0x0];
	s2 =	stileid.u32  }
0x4e: {  	s1 =	rddreg [dreg:$0x1];
	p0 =	sne.s32 s2, $0x0  }
0x4f: {  	s3 =	rddreg [dreg:$0x2];
	[bflag:$0x3] =	sbarrier.arrive $0xFFFF;
	s2 =	simm.s32 @!p0 $0x1C01  }
0x50: {  	[timem:s3], [sflag:s2] =	dma.local @!p0 [hbm:s0], s1  }
0x51: {  	s0 =	simm.s32 @!p0 $0x1  }
0x52: {  	_ =	swait.ge @!p0 [sflag:s0], s1  }
0x53: {  	s1 =	ssub.s32 @!p0 $0x0, s1;
	[sflag:s0] =	ssyncset.done @!p0 $0x0  }
0x54: {  	[sflag:s0] =	ssyncadd.s32 @!p0 s1  }
0x55: {  	[bflag:$0x3] =	sbarrier.arrive $0xFFFF  }
0x56: {  	_ =	shalt  }

</sc_bundles>
